<compile_context>
chip_gen: v7x
topology: tpu7x:2x2x1
jax: 0.10.2.dev20260603
libtpu: 0.0.44.dev20260713+nightly
codegen_flags: <defaults>
</compile_context>

<pallas_src>
import functools

import jax
import jax.numpy as jnp
from jax import lax
from jax.experimental import pallas as pl
from jax.experimental.pallas import tpu as pltpu
from jax.experimental.pallas import tpu_sc as plsc

_NC = 2
_NS = 16
_NW = _NC * _NS
_L = 16

_B = 16384
_D = 64
_BPW = _B // _NW
_CH = 128
_NCH = _BPW // _CH


def _make_path_emb():
    mesh = plsc.VectorSubcoreMesh(core_axis_name="c", subcore_axis_name="s")

    @functools.partial(
        pl.kernel,
        out_type=jax.ShapeDtypeStruct((_B, _D), jnp.float32),
        mesh=mesh,
        compiler_params=pltpu.CompilerParams(use_tc_tiling_on_sc=False),
        scratch_types=[
            pltpu.VMEM((_NCH, _CH), jnp.int32),
            pltpu.VMEM((_NCH, _CH), jnp.int32),
            pltpu.VMEM((_BPW, _D), jnp.float32),
            pltpu.VMEM((_BPW, _D), jnp.float32),
            pltpu.SemaphoreType.DMA,
            pltpu.SemaphoreType.DMA,
        ] + [pltpu.SemaphoreType.DMA] * _NCH + [pltpu.SemaphoreType.DMA],
    )
    def k(sid_hbm, aid_hbm, stab_hbm, atab_hbm, out_hbm,
          sidx_v, aidx_v, srow_v, arow_v, *sems):
        sem_si, sem_ai = sems[0], sems[1]
        chunk_sems, sem_out = sems[2:2 + _NCH], sems[2 + _NCH]
        wid = lax.axis_index("s") * _NC + lax.axis_index("c")
        base = wid * _BPW
        ci = pltpu.async_copy(sid_hbm.at[wid], sidx_v, sem_si)
        ca = pltpu.async_copy(aid_hbm.at[wid], aidx_v, sem_ai)
        ci.wait()
        sg = []
        for j in range(_NCH):
            dst = pl.ds(j * _CH, _CH)
            sg.append(
                pltpu.async_copy(stab_hbm.at[sidx_v.at[j]], srow_v.at[dst],
                                 chunk_sems[j]))
        ca.wait()
        gathers = []
        for j in range(_NCH):
            dst = pl.ds(j * _CH, _CH)
            gathers.append((
                sg[j],
                pltpu.async_copy(atab_hbm.at[aidx_v.at[j]], arow_v.at[dst],
                                 chunk_sems[j]),
            ))

        out_copies = []
        for j in range(_NCH):
            gathers[j][0].wait()
            gathers[j][1].wait()

            @plsc.parallel_loop(0, _CH, 1, unroll=4)
            def body(r, _j=j):
                row = _j * _CH + r
                for c0 in range(_D // _L):
                    sl = pl.ds(c0 * _L, _L)
                    plsc.addupdate(srow_v.at[row, sl], arow_v[row, sl])

            chunk = pl.ds(j * _CH, _CH)
            out_copies.append(
                pltpu.async_copy(srow_v.at[chunk],
                                 out_hbm.at[pl.ds(base + j * _CH, _CH)],
                                 sem_out))
        for c in out_copies:
            c.wait()

    return k


_path_emb = _make_path_emb()


def kernel(state_ids, action_ids, state_table, action_table):
    sid = state_ids.reshape(_NW, _NCH, _CH)
    aid = action_ids.reshape(_NW, _NCH, _CH)
    return _path_emb(sid, aid, state_table, action_table)

# --- scband reference (transcript-rebuilt; emitter-appended) ---
"""Pipeline reference for scband-path-memory-graph-16647293239558 (READ-ONLY COPY).

The authoritative reference and input builder live on the scoring server;
editing this copy changes nothing except your own understanding.
"""

import jax, jax.numpy as jnp
import numpy as np

NUM_STATES = 10000
NUM_ACTIONS = 1000
EMBED_DIM = 64
BATCH = 16384

def setup_inputs(seed: int = 0) -> dict:
    key = jax.random.key(seed)
    k1, k2, k3, k4 = jax.random.split(key, 4)
    state_ids = jax.random.randint(k1, (BATCH,), 0, NUM_STATES, dtype=jnp.int64 if jax.config.jax_enable_x64 else jnp.int32).astype(jnp.int32)
    action_ids = jax.random.randint(k2, (BATCH,), 0, NUM_ACTIONS).astype(jnp.int32)
    # Learned parameters: embedding tables (nn.Embedding default init ~ N(0,1))
    state_table = jax.random.normal(k3, (NUM_STATES, EMBED_DIM), dtype=jnp.float32)
    action_table = jax.random.normal(k4, (NUM_ACTIONS, EMBED_DIM), dtype=jnp.float32)
    return {"state_ids": state_ids, "action_ids": action_ids, "state_table": state_table, "action_table": action_table}

def reference(state_ids, action_ids, state_table, action_table):
    # Faithful translation of PathMemoryGraph._embed_paths:
    # path_emb = state_embedding(state_id) + action_embedding(action_id), stacked over paths.
    state_emb = jnp.take(state_table, state_ids, axis=0)
    action_emb = jnp.take(action_table, action_ids, axis=0)
    path_emb = state_emb + action_emb
    return path_emb

if __name__ == "__main__":
    import jax
    _d = setup_inputs()
    print(jax.jit(kernel)(*tuple(_d.values())))

</pallas_src>

<mosaic_0001>
#map = affine_map<(d0, d1) -> (0, 0, 0)>
#map1 = affine_map<(d0, d1) -> (0, 0)>
module attributes {stable_mosaic.version = 14 : i64} {
  func.func @k(%arg0: i32, %arg1: i32, %arg2: memref<32x4x128xi32, #tpu.memory_space<hbm>>, %arg3: memref<32x4x128xi32, #tpu.memory_space<hbm>>, %arg4: memref<10000x64xf32, #tpu.memory_space<hbm>>, %arg5: memref<1000x64xf32, #tpu.memory_space<hbm>>, %arg6: memref<16384x64xf32, #tpu.memory_space<hbm>>, %arg7: memref<4x128xi32, #tpu.memory_space<vmem>>, %arg8: memref<4x128xi32, #tpu.memory_space<vmem>>, %arg9: memref<512x64xf32, #tpu.memory_space<vmem>>, %arg10: memref<512x64xf32, #tpu.memory_space<vmem>>, %arg11: memref<!tpu.dma_semaphore, #tpu.memory_space<semaphore_mem>>, %arg12: memref<!tpu.dma_semaphore, #tpu.memory_space<semaphore_mem>>, %arg13: memref<!tpu.dma_semaphore, #tpu.memory_space<semaphore_mem>>, %arg14: memref<!tpu.dma_semaphore, #tpu.memory_space<semaphore_mem>>, %arg15: memref<!tpu.dma_semaphore, #tpu.memory_space<semaphore_mem>>, %arg16: memref<!tpu.dma_semaphore, #tpu.memory_space<semaphore_mem>>, %arg17: memref<!tpu.dma_semaphore, #tpu.memory_space<semaphore_mem>>) attributes {dimension_semantics = [#tpu.dimension_semantics<core_parallel>, #tpu.dimension_semantics<subcore_parallel>], iteration_bounds = array<i64: 2, 16>, scalar_prefetch = 0 : i64, scratch_operands = 11 : i64, tpu.core_type = #tpu.core_type<sc_vector_subcore>, window_params = [{transform_indices = #map}, {transform_indices = #map}, {transform_indices = #map1}, {transform_indices = #map1}, {transform_indices = #map1}]} {
    %mul3A = arith.constant 2 : i32
    %mul3A_0 = arith.muli %arg1, %mul3A : i32
    %add3A = arith.addi %mul3A_0, %arg0 : i32
    %mul3A_1 = arith.constant 512 : i32
    %mul3A_2 = arith.muli %add3A, %mul3A_1 : i32
    %dma_start3A = arith.constant 0 : i32
    %dma_start3A_3 = arith.constant 0 : i32
    %dma_start3A_4 = tpu.memref_slice %arg2[%add3A, %dma_start3A, %dma_start3A_3] : memref<32x4x128xi32, #tpu.memory_space<hbm>> -> memref<1x4x128xi32, #tpu.memory_space<hbm>>
    %dma_start3A_5 = tpu.memref_squeeze %dma_start3A_4 : memref<1x4x128xi32, #tpu.memory_space<hbm>> -> memref<4x128xi32, #tpu.memory_space<hbm>>
    %dma_start3A_6 = arith.constant 0 : i32
    %dma_start3A_7 = arith.constant 0 : i32
    %dma_start3A_8 = tpu.memref_slice %arg2[%add3A, %dma_start3A_6, %dma_start3A_7] : memref<32x4x128xi32, #tpu.memory_space<hbm>> -> memref<1x4x128xi32, #tpu.memory_space<hbm>>
    %dma_start3A_9 = tpu.memref_squeeze %dma_start3A_8 : memref<1x4x128xi32, #tpu.memory_space<hbm>> -> memref<4x128xi32, #tpu.memory_space<hbm>>
    tpu.enqueue_dma source(%dma_start3A_9 : memref<4x128xi32, #tpu.memory_space<hbm>>) target(%arg7 : memref<4x128xi32, #tpu.memory_space<vmem>>) target_semaphore(%arg11 : memref<!tpu.dma_semaphore, #tpu.memory_space<semaphore_mem>>)
    %dma_start3A_10 = arith.constant 0 : i32
    %dma_start3A_11 = arith.constant 0 : i32
    %dma_start3A_12 = tpu.memref_slice %arg3[%add3A, %dma_start3A_10, %dma_start3A_11] : memref<32x4x128xi32, #tpu.memory_space<hbm>> -> memref<1x4x128xi32, #tpu.memory_space<hbm>>
    %dma_start3A_13 = tpu.memref_squeeze %dma_start3A_12 : memref<1x4x128xi32, #tpu.memory_space<hbm>> -> memref<4x128xi32, #tpu.memory_space<hbm>>
    %dma_start3A_14 = arith.constant 0 : i32
    %dma_start3A_15 = arith.constant 0 : i32
    %dma_start3A_16 = tpu.memref_slice %arg3[%add3A, %dma_start3A_14, %dma_start3A_15] : memref<32x4x128xi32, #tpu.memory_space<hbm>> -> memref<1x4x128xi32, #tpu.memory_space<hbm>>
    %dma_start3A_17 = tpu.memref_squeeze %dma_start3A_16 : memref<1x4x128xi32, #tpu.memory_space<hbm>> -> memref<4x128xi32, #tpu.memory_space<hbm>>
    tpu.enqueue_dma source(%dma_start3A_17 : memref<4x128xi32, #tpu.memory_space<hbm>>) target(%arg8 : memref<4x128xi32, #tpu.memory_space<vmem>>) target_semaphore(%arg12 : memref<!tpu.dma_semaphore, #tpu.memory_space<semaphore_mem>>)
    %dma_wait3A = arith.constant 0 : i32
    %dma_wait3A_18 = arith.constant 0 : i32
    %dma_wait3A_19 = tpu.memref_slice %arg2[%add3A, %dma_wait3A, %dma_wait3A_18] : memref<32x4x128xi32, #tpu.memory_space<hbm>> -> memref<1x4x128xi32, #tpu.memory_space<hbm>>
    %dma_wait3A_20 = tpu.memref_squeeze %dma_wait3A_19 : memref<1x4x128xi32, #tpu.memory_space<hbm>> -> memref<4x128xi32, #tpu.memory_space<hbm>>
    %dma_wait3A_21 = arith.constant 0 : i32
    %dma_wait3A_22 = arith.constant 0 : i32
    %dma_wait3A_23 = tpu.memref_slice %arg2[%add3A, %dma_wait3A_21, %dma_wait3A_22] : memref<32x4x128xi32, #tpu.memory_space<hbm>> -> memref<1x4x128xi32, #tpu.memory_space<hbm>>
    %dma_wait3A_24 = tpu.memref_squeeze %dma_wait3A_23 : memref<1x4x128xi32, #tpu.memory_space<hbm>> -> memref<4x128xi32, #tpu.memory_space<hbm>>
    tpu.wait_dma2 semaphore(%arg11 : memref<!tpu.dma_semaphore, #tpu.memory_space<semaphore_mem>>) src(%dma_wait3A_24 : memref<4x128xi32, #tpu.memory_space<hbm>>) dst(%arg7 : memref<4x128xi32, #tpu.memory_space<vmem>>)
    %dma_start3A_25 = arith.constant 0 : i32
    %dma_start3A_26 = arith.constant 0 : i32
    %dma_start3A_27 = arith.constant 0 : i32
    %dma_start3A_28 = tpu.memref_slice %arg9[%dma_start3A_26, %dma_start3A_27] : memref<512x64xf32, #tpu.memory_space<vmem>> -> memref<128x64xf32, #tpu.memory_space<vmem>>
    %dma_start3A_29 = arith.constant 0 : i32
    %dma_start3A_30 = tpu.memref_slice %arg7[%dma_start3A_25, %dma_start3A_29] : memref<4x128xi32, #tpu.memory_space<vmem>> -> memref<1x128xi32, #tpu.memory_space<vmem>>
    %dma_start3A_31 = tpu.memref_squeeze %dma_start3A_30 : memref<1x128xi32, #tpu.memory_space<vmem>> -> memref<128xi32, #tpu.memory_space<vmem>>
    %dma_start3A_32 = arith.constant 0 : i32
    %dma_start3A_33 = arith.constant 0 : i32
    %dma_start3A_34 = tpu.memref_slice %arg4[%dma_start3A_32, %dma_start3A_33] : memref<10000x64xf32, #tpu.memory_space<hbm>> -> memref<10000x64xf32, #tpu.memory_space<hbm>>
    tpu.enqueue_indirect_dma source(%dma_start3A_34 : memref<10000x64xf32, #tpu.memory_space<hbm>>) target(%dma_start3A_28 : memref<128x64xf32, #tpu.memory_space<vmem>>) offsets(%dma_start3A_31 : memref<128xi32, #tpu.memory_space<vmem>>) semaphore(%arg13 : memref<!tpu.dma_semaphore, #tpu.memory_space<semaphore_mem>>)
    %dma_start3A_35 = arith.constant 1 : i32
    %dma_start3A_36 = arith.constant 128 : i32
    %dma_start3A_37 = arith.constant 0 : i32
    %dma_start3A_38 = tpu.memref_slice %arg9[%dma_start3A_36, %dma_start3A_37] : memref<512x64xf32, #tpu.memory_space<vmem>> -> memref<128x64xf32, #tpu.memory_space<vmem>>
    %dma_start3A_39 = arith.constant 0 : i32
    %dma_start3A_40 = tpu.memref_slice %arg7[%dma_start3A_35, %dma_start3A_39] : memref<4x128xi32, #tpu.memory_space<vmem>> -> memref<1x128xi32, #tpu.memory_space<vmem>>
    %dma_start3A_41 = tpu.memref_squeeze %dma_start3A_40 : memref<1x128xi32, #tpu.memory_space<vmem>> -> memref<128xi32, #tpu.memory_space<vmem>>
    %dma_start3A_42 = arith.constant 0 : i32
    %dma_start3A_43 = arith.constant 0 : i32
    %dma_start3A_44 = tpu.memref_slice %arg4[%dma_start3A_42, %dma_start3A_43] : memref<10000x64xf32, #tpu.memory_space<hbm>> -> memref<10000x64xf32, #tpu.memory_space<hbm>>
    tpu.enqueue_indirect_dma source(%dma_start3A_44 : memref<10000x64xf32, #tpu.memory_space<hbm>>) target(%dma_start3A_38 : memref<128x64xf32, #tpu.memory_space<vmem>>) offsets(%dma_start3A_41 : memref<128xi32, #tpu.memory_space<vmem>>) semaphore(%arg14 : memref<!tpu.dma_semaphore, #tpu.memory_space<semaphore_mem>>)
    %dma_start3A_45 = arith.constant 2 : i32
    %dma_start3A_46 = arith.constant 256 : i32
    %dma_start3A_47 = arith.constant 0 : i32
    %dma_start3A_48 = tpu.memref_slice %arg9[%dma_start3A_46, %dma_start3A_47] : memref<512x64xf32, #tpu.memory_space<vmem>> -> memref<128x64xf32, #tpu.memory_space<vmem>>
    %dma_start3A_49 = arith.constant 0 : i32
    %dma_start3A_50 = tpu.memref_slice %arg7[%dma_start3A_45, %dma_start3A_49] : memref<4x128xi32, #tpu.memory_space<vmem>> -> memref<1x128xi32, #tpu.memory_space<vmem>>
    %dma_start3A_51 = tpu.memref_squeeze %dma_start3A_50 : memref<1x128xi32, #tpu.memory_space<vmem>> -> memref<128xi32, #tpu.memory_space<vmem>>
    %dma_start3A_52 = arith.constant 0 : i32
    %dma_start3A_53 = arith.constant 0 : i32
    %dma_start3A_54 = tpu.memref_slice %arg4[%dma_start3A_52, %dma_start3A_53] : memref<10000x64xf32, #tpu.memory_space<hbm>> -> memref<10000x64xf32, #tpu.memory_space<hbm>>
    tpu.enqueue_indirect_dma source(%dma_start3A_54 : memref<10000x64xf32, #tpu.memory_space<hbm>>) target(%dma_start3A_48 : memref<128x64xf32, #tpu.memory_space<vmem>>) offsets(%dma_start3A_51 : memref<128xi32, #tpu.memory_space<vmem>>) semaphore(%arg15 : memref<!tpu.dma_semaphore, #tpu.memory_space<semaphore_mem>>)
    %dma_start3A_55 = arith.constant 3 : i32
    %dma_start3A_56 = arith.constant 384 : i32
    %dma_start3A_57 = arith.constant 0 : i32
    %dma_start3A_58 = tpu.memref_slice %arg9[%dma_start3A_56, %dma_start3A_57] : memref<512x64xf32, #tpu.memory_space<vmem>> -> memref<128x64xf32, #tpu.memory_space<vmem>>
    %dma_start3A_59 = arith.constant 0 : i32
    %dma_start3A_60 = tpu.memref_slice %arg7[%dma_start3A_55, %dma_start3A_59] : memref<4x128xi32, #tpu.memory_space<vmem>> -> memref<1x128xi32, #tpu.memory_space<vmem>>
    %dma_start3A_61 = tpu.memref_squeeze %dma_start3A_60 : memref<1x128xi32, #tpu.memory_space<vmem>> -> memref<128xi32, #tpu.memory_space<vmem>>
    %dma_start3A_62 = arith.constant 0 : i32
    %dma_start3A_63 = arith.constant 0 : i32
    %dma_start3A_64 = tpu.memref_slice %arg4[%dma_start3A_62, %dma_start3A_63] : memref<10000x64xf32, #tpu.memory_space<hbm>> -> memref<10000x64xf32, #tpu.memory_space<hbm>>
    tpu.enqueue_indirect_dma source(%dma_start3A_64 : memref<10000x64xf32, #tpu.memory_space<hbm>>) target(%dma_start3A_58 : memref<128x64xf32, #tpu.memory_space<vmem>>) offsets(%dma_start3A_61 : memref<128xi32, #tpu.memory_space<vmem>>) semaphore(%arg16 : memref<!tpu.dma_semaphore, #tpu.memory_space<semaphore_mem>>)
    %dma_wait3A_65 = arith.constant 0 : i32
    %dma_wait3A_66 = arith.constant 0 : i32
    %dma_wait3A_67 = tpu.memref_slice %arg3[%add3A, %dma_wait3A_65, %dma_wait3A_66] : memref<32x4x128xi32, #tpu.memory_space<hbm>> -> memref<1x4x128xi32, #tpu.memory_space<hbm>>
    %dma_wait3A_68 = tpu.memref_squeeze %dma_wait3A_67 : memref<1x4x128xi32, #tpu.memory_space<hbm>> -> memref<4x128xi32, #tpu.memory_space<hbm>>
    %dma_wait3A_69 = arith.constant 0 : i32
    %dma_wait3A_70 = arith.constant 0 : i32
    %dma_wait3A_71 = tpu.memref_slice %arg3[%add3A, %dma_wait3A_69, %dma_wait3A_70] : memref<32x4x128xi32, #tpu.memory_space<hbm>> -> memref<1x4x128xi32, #tpu.memory_space<hbm>>
    %dma_wait3A_72 = tpu.memref_squeeze %dma_wait3A_71 : memref<1x4x128xi32, #tpu.memory_space<hbm>> -> memref<4x128xi32, #tpu.memory_space<hbm>>
    tpu.wait_dma2 semaphore(%arg12 : memref<!tpu.dma_semaphore, #tpu.memory_space<semaphore_mem>>) src(%dma_wait3A_72 : memref<4x128xi32, #tpu.memory_space<hbm>>) dst(%arg8 : memref<4x128xi32, #tpu.memory_space<vmem>>)
    %dma_start3A_73 = arith.constant 0 : i32
    %dma_start3A_74 = arith.constant 0 : i32
    %dma_start3A_75 = arith.constant 0 : i32
    %dma_start3A_76 = tpu.memref_slice %arg10[%dma_start3A_74, %dma_start3A_75] : memref<512x64xf32, #tpu.memory_space<vmem>> -> memref<128x64xf32, #tpu.memory_space<vmem>>
    %dma_start3A_77 = arith.constant 0 : i32
    %dma_start3A_78 = tpu.memref_slice %arg8[%dma_start3A_73, %dma_start3A_77] : memref<4x128xi32, #tpu.memory_space<vmem>> -> memref<1x128xi32, #tpu.memory_space<vmem>>
    %dma_start3A_79 = tpu.memref_squeeze %dma_start3A_78 : memref<1x128xi32, #tpu.memory_space<vmem>> -> memref<128xi32, #tpu.memory_space<vmem>>
    %dma_start3A_80 = arith.constant 0 : i32
    %dma_start3A_81 = arith.constant 0 : i32
    %dma_start3A_82 = tpu.memref_slice %arg5[%dma_start3A_80, %dma_start3A_81] : memref<1000x64xf32, #tpu.memory_space<hbm>> -> memref<1000x64xf32, #tpu.memory_space<hbm>>
    tpu.enqueue_indirect_dma source(%dma_start3A_82 : memref<1000x64xf32, #tpu.memory_space<hbm>>) target(%dma_start3A_76 : memref<128x64xf32, #tpu.memory_space<vmem>>) offsets(%dma_start3A_79 : memref<128xi32, #tpu.memory_space<vmem>>) semaphore(%arg13 : memref<!tpu.dma_semaphore, #tpu.memory_space<semaphore_mem>>)
    %dma_start3A_83 = arith.constant 1 : i32
    %dma_start3A_84 = arith.constant 128 : i32
    %dma_start3A_85 = arith.constant 0 : i32
    %dma_start3A_86 = tpu.memref_slice %arg10[%dma_start3A_84, %dma_start3A_85] : memref<512x64xf32, #tpu.memory_space<vmem>> -> memref<128x64xf32, #tpu.memory_space<vmem>>
    %dma_start3A_87 = arith.constant 0 : i32
    %dma_start3A_88 = tpu.memref_slice %arg8[%dma_start3A_83, %dma_start3A_87] : memref<4x128xi32, #tpu.memory_space<vmem>> -> memref<1x128xi32, #tpu.memory_space<vmem>>
    %dma_start3A_89 = tpu.memref_squeeze %dma_start3A_88 : memref<1x128xi32, #tpu.memory_space<vmem>> -> memref<128xi32, #tpu.memory_space<vmem>>
    %dma_start3A_90 = arith.constant 0 : i32
    %dma_start3A_91 = arith.constant 0 : i32
    %dma_start3A_92 = tpu.memref_slice %arg5[%dma_start3A_90, %dma_start3A_91] : memref<1000x64xf32, #tpu.memory_space<hbm>> -> memref<1000x64xf32, #tpu.memory_space<hbm>>
    tpu.enqueue_indirect_dma source(%dma_start3A_92 : memref<1000x64xf32, #tpu.memory_space<hbm>>) target(%dma_start3A_86 : memref<128x64xf32, #tpu.memory_space<vmem>>) offsets(%dma_start3A_89 : memref<128xi32, #tpu.memory_space<vmem>>) semaphore(%arg14 : memref<!tpu.dma_semaphore, #tpu.memory_space<semaphore_mem>>)
    %dma_start3A_93 = arith.constant 2 : i32
    %dma_start3A_94 = arith.constant 256 : i32
    %dma_start3A_95 = arith.constant 0 : i32
    %dma_start3A_96 = tpu.memref_slice %arg10[%dma_start3A_94, %dma_start3A_95] : memref<512x64xf32, #tpu.memory_space<vmem>> -> memref<128x64xf32, #tpu.memory_space<vmem>>
    %dma_start3A_97 = arith.constant 0 : i32
    %dma_start3A_98 = tpu.memref_slice %arg8[%dma_start3A_93, %dma_start3A_97] : memref<4x128xi32, #tpu.memory_space<vmem>> -> memref<1x128xi32, #tpu.memory_space<vmem>>
    %dma_start3A_99 = tpu.memref_squeeze %dma_start3A_98 : memref<1x128xi32, #tpu.memory_space<vmem>> -> memref<128xi32, #tpu.memory_space<vmem>>
    %dma_start3A_100 = arith.constant 0 : i32
    %dma_start3A_101 = arith.constant 0 : i32
    %dma_start3A_102 = tpu.memref_slice %arg5[%dma_start3A_100, %dma_start3A_101] : memref<1000x64xf32, #tpu.memory_space<hbm>> -> memref<1000x64xf32, #tpu.memory_space<hbm>>
    tpu.enqueue_indirect_dma source(%dma_start3A_102 : memref<1000x64xf32, #tpu.memory_space<hbm>>) target(%dma_start3A_96 : memref<128x64xf32, #tpu.memory_space<vmem>>) offsets(%dma_start3A_99 : memref<128xi32, #tpu.memory_space<vmem>>) semaphore(%arg15 : memref<!tpu.dma_semaphore, #tpu.memory_space<semaphore_mem>>)
    %dma_start3A_103 = arith.constant 3 : i32
    %dma_start3A_104 = arith.constant 384 : i32
    %dma_start3A_105 = arith.constant 0 : i32
    %dma_start3A_106 = tpu.memref_slice %arg10[%dma_start3A_104, %dma_start3A_105] : memref<512x64xf32, #tpu.memory_space<vmem>> -> memref<128x64xf32, #tpu.memory_space<vmem>>
    %dma_start3A_107 = arith.constant 0 : i32
    %dma_start3A_108 = tpu.memref_slice %arg8[%dma_start3A_103, %dma_start3A_107] : memref<4x128xi32, #tpu.memory_space<vmem>> -> memref<1x128xi32, #tpu.memory_space<vmem>>
    %dma_start3A_109 = tpu.memref_squeeze %dma_start3A_108 : memref<1x128xi32, #tpu.memory_space<vmem>> -> memref<128xi32, #tpu.memory_space<vmem>>
    %dma_start3A_110 = arith.constant 0 : i32
    %dma_start3A_111 = arith.constant 0 : i32
    %dma_start3A_112 = tpu.memref_slice %arg5[%dma_start3A_110, %dma_start3A_111] : memref<1000x64xf32, #tpu.memory_space<hbm>> -> memref<1000x64xf32, #tpu.memory_space<hbm>>
    tpu.enqueue_indirect_dma source(%dma_start3A_112 : memref<1000x64xf32, #tpu.memory_space<hbm>>) target(%dma_start3A_106 : memref<128x64xf32, #tpu.memory_space<vmem>>) offsets(%dma_start3A_109 : memref<128xi32, #tpu.memory_space<vmem>>) semaphore(%arg16 : memref<!tpu.dma_semaphore, #tpu.memory_space<semaphore_mem>>)
    %dma_wait3A_113 = arith.constant 0 : i32
    %dma_wait3A_114 = arith.constant 0 : i32
    %dma_wait3A_115 = arith.constant 0 : i32
    %dma_wait3A_116 = tpu.memref_slice %arg9[%dma_wait3A_114, %dma_wait3A_115] : memref<512x64xf32, #tpu.memory_space<vmem>> -> memref<128x64xf32, #tpu.memory_space<vmem>>
    %dma_wait3A_117 = arith.constant 0 : i32
    %dma_wait3A_118 = tpu.memref_slice %arg7[%dma_wait3A_113, %dma_wait3A_117] : memref<4x128xi32, #tpu.memory_space<vmem>> -> memref<1x128xi32, #tpu.memory_space<vmem>>
    %dma_wait3A_119 = tpu.memref_squeeze %dma_wait3A_118 : memref<1x128xi32, #tpu.memory_space<vmem>> -> memref<128xi32, #tpu.memory_space<vmem>>
    %dma_wait3A_120 = arith.constant 0 : i32
    %dma_wait3A_121 = arith.constant 0 : i32
    %dma_wait3A_122 = tpu.memref_slice %arg4[%dma_wait3A_120, %dma_wait3A_121] : memref<10000x64xf32, #tpu.memory_space<hbm>> -> memref<10000x64xf32, #tpu.memory_space<hbm>>
    tpu.wait_indirect_dma semaphore(%arg13 : memref<!tpu.dma_semaphore, #tpu.memory_space<semaphore_mem>>) src(%dma_wait3A_122 : memref<10000x64xf32, #tpu.memory_space<hbm>>) dst(%dma_wait3A_116 : memref<128x64xf32, #tpu.memory_space<vmem>>)
    %dma_wait3A_123 = arith.constant 0 : i32
    %dma_wait3A_124 = arith.constant 0 : i32
    %dma_wait3A_125 = arith.constant 0 : i32
    %dma_wait3A_126 = tpu.memref_slice %arg10[%dma_wait3A_124, %dma_wait3A_125] : memref<512x64xf32, #tpu.memory_space<vmem>> -> memref<128x64xf32, #tpu.memory_space<vmem>>
    %dma_wait3A_127 = arith.constant 0 : i32
    %dma_wait3A_128 = tpu.memref_slice %arg8[%dma_wait3A_123, %dma_wait3A_127] : memref<4x128xi32, #tpu.memory_space<vmem>> -> memref<1x128xi32, #tpu.memory_space<vmem>>
    %dma_wait3A_129 = tpu.memref_squeeze %dma_wait3A_128 : memref<1x128xi32, #tpu.memory_space<vmem>> -> memref<128xi32, #tpu.memory_space<vmem>>
    %dma_wait3A_130 = arith.constant 0 : i32
    %dma_wait3A_131 = arith.constant 0 : i32
    %dma_wait3A_132 = tpu.memref_slice %arg5[%dma_wait3A_130, %dma_wait3A_131] : memref<1000x64xf32, #tpu.memory_space<hbm>> -> memref<1000x64xf32, #tpu.memory_space<hbm>>
    tpu.wait_indirect_dma semaphore(%arg13 : memref<!tpu.dma_semaphore, #tpu.memory_space<semaphore_mem>>) src(%dma_wait3A_132 : memref<1000x64xf32, #tpu.memory_space<hbm>>) dst(%dma_wait3A_126 : memref<128x64xf32, #tpu.memory_space<vmem>>)
    %parallel_loop3A = arith.constant 0 : i32
    %parallel_loop3A_133 = arith.constant 128 : i32
    %parallel_loop3A_134 = arith.constant 1 : i32
    scf.for %parallel_loop3A_292 = %parallel_loop3A to %parallel_loop3A_133 step %parallel_loop3A_134  : i32 {
      %parallel_loop3A_293 = arith.constant 0 : i32
      %parallel_loop3A_294 = arith.addi %parallel_loop3A_293, %parallel_loop3A_292 : i32
      %parallel_loop3A_295 = arith.index_cast %parallel_loop3A_294 : i32 to index
      %parallel_loop3A_296 = arith.constant 0 : index
      %parallel_loop3A_297 = tpu.vector_load %arg10[%parallel_loop3A_295, %parallel_loop3A_296] {strides = array<i32>} : memref<512x64xf32, #tpu.memory_space<vmem>>, vector<1x16xf32>,
      %parallel_loop3A_298 = vector.shape_cast %parallel_loop3A_297 : vector<1x16xf32> to vector<16xf32>
      %parallel_loop3A_299 = arith.index_cast %parallel_loop3A_294 : i32 to index
      %parallel_loop3A_300 = arith.constant 0 : index
      %parallel_loop3A_301 = tpu.vector_load %arg9[%parallel_loop3A_299, %parallel_loop3A_300] {strides = array<i32>} : memref<512x64xf32, #tpu.memory_space<vmem>>, vector<1x16xf32>,
      %parallel_loop3A_302 = vector.shape_cast %parallel_loop3A_301 : vector<1x16xf32> to vector<16xf32>
      %parallel_loop3A_303 = vector.shape_cast %parallel_loop3A_298 : vector<16xf32> to vector<1x16xf32>
      tpu.vector_store %arg9[%parallel_loop3A_299, %parallel_loop3A_300], %parallel_loop3A_303 {add = true, strides = array<i32>} : memref<512x64xf32, #tpu.memory_space<vmem>>, vector<1x16xf32>,
      %parallel_loop3A_304 = arith.index_cast %parallel_loop3A_294 : i32 to index
      %parallel_loop3A_305 = arith.constant 16 : index
      %parallel_loop3A_306 = tpu.vector_load %arg10[%parallel_loop3A_304, %parallel_loop3A_305] {strides = array<i32>} : memref<512x64xf32, #tpu.memory_space<vmem>>, vector<1x16xf32>,
      %parallel_loop3A_307 = vector.shape_cast %parallel_loop3A_306 : vector<1x16xf32> to vector<16xf32>
      %parallel_loop3A_308 = arith.index_cast %parallel_loop3A_294 : i32 to index
      %parallel_loop3A_309 = arith.constant 16 : index
      %parallel_loop3A_310 = tpu.vector_load %arg9[%parallel_loop3A_308, %parallel_loop3A_309] {strides = array<i32>} : memref<512x64xf32, #tpu.memory_space<vmem>>, vector<1x16xf32>,
      %parallel_loop3A_311 = vector.shape_cast %parallel_loop3A_310 : vector<1x16xf32> to vector<16xf32>
      %parallel_loop3A_312 = vector.shape_cast %parallel_loop3A_307 : vector<16xf32> to vector<1x16xf32>
      tpu.vector_store %arg9[%parallel_loop3A_308, %parallel_loop3A_309], %parallel_loop3A_312 {add = true, strides = array<i32>} : memref<512x64xf32, #tpu.memory_space<vmem>>, vector<1x16xf32>,
      %parallel_loop3A_313 = arith.index_cast %parallel_loop3A_294 : i32 to index
      %parallel_loop3A_314 = arith.constant 32 : index
      %parallel_loop3A_315 = tpu.vector_load %arg10[%parallel_loop3A_313, %parallel_loop3A_314] {strides = array<i32>} : memref<512x64xf32, #tpu.memory_space<vmem>>, vector<1x16xf32>,
      %parallel_loop3A_316 = vector.shape_cast %parallel_loop3A_315 : vector<1x16xf32> to vector<16xf32>
      %parallel_loop3A_317 = arith.index_cast %parallel_loop3A_294 : i32 to index
      %parallel_loop3A_318 = arith.constant 32 : index
      %parallel_loop3A_319 = tpu.vector_load %arg9[%parallel_loop3A_317, %parallel_loop3A_318] {strides = array<i32>} : memref<512x64xf32, #tpu.memory_space<vmem>>, vector<1x16xf32>,
      %parallel_loop3A_320 = vector.shape_cast %parallel_loop3A_319 : vector<1x16xf32> to vector<16xf32>
      %parallel_loop3A_321 = vector.shape_cast %parallel_loop3A_316 : vector<16xf32> to vector<1x16xf32>
      tpu.vector_store %arg9[%parallel_loop3A_317, %parallel_loop3A_318], %parallel_loop3A_321 {add = true, strides = array<i32>} : memref<512x64xf32, #tpu.memory_space<vmem>>, vector<1x16xf32>,
      %parallel_loop3A_322 = arith.index_cast %parallel_loop3A_294 : i32 to index
      %parallel_loop3A_323 = arith.constant 48 : index
      %parallel_loop3A_324 = tpu.vector_load %arg10[%parallel_loop3A_322, %parallel_loop3A_323] {strides = array<i32>} : memref<512x64xf32, #tpu.memory_space<vmem>>, vector<1x16xf32>,
      %parallel_loop3A_325 = vector.shape_cast %parallel_loop3A_324 : vector<1x16xf32> to vector<16xf32>
      %parallel_loop3A_326 = arith.index_cast %parallel_loop3A_294 : i32 to index
      %parallel_loop3A_327 = arith.constant 48 : index
      %parallel_loop3A_328 = tpu.vector_load %arg9[%parallel_loop3A_326, %parallel_loop3A_327] {strides = array<i32>} : memref<512x64xf32, #tpu.memory_space<vmem>>, vector<1x16xf32>,
      %parallel_loop3A_329 = vector.shape_cast %parallel_loop3A_328 : vector<1x16xf32> to vector<16xf32>
      %parallel_loop3A_330 = vector.shape_cast %parallel_loop3A_325 : vector<16xf32> to vector<1x16xf32>
      tpu.vector_store %arg9[%parallel_loop3A_326, %parallel_loop3A_327], %parallel_loop3A_330 {add = true, strides = array<i32>} : memref<512x64xf32, #tpu.memory_space<vmem>>, vector<1x16xf32>,
    } {sc.loop_unroll_factor = 4 : i64, sc.parallel_access}
    %add3A_135 = arith.constant 0 : i32
    %add3A_136 = arith.addi %mul3A_2, %add3A_135 : i32
    %dma_start3A_137 = arith.constant 0 : i32
    %dma_start3A_138 = arith.constant 0 : i32
    %dma_start3A_139 = tpu.memref_slice %arg9[%dma_start3A_137, %dma_start3A_138] : memref<512x64xf32, #tpu.memory_space<vmem>> -> memref<128x64xf32, #tpu.memory_space<vmem>>
    %dma_start3A_140 = arith.constant 0 : i32
    %dma_start3A_141 = tpu.memref_slice %arg6[%add3A_136, %dma_start3A_140] : memref<16384x64xf32, #tpu.memory_space<hbm>> -> memref<128x64xf32, #tpu.memory_space<hbm>>
    %dma_start3A_142 = arith.constant 0 : i32
    %dma_start3A_143 = tpu.memref_slice %arg6[%add3A_136, %dma_start3A_142] : memref<16384x64xf32, #tpu.memory_space<hbm>> -> memref<128x64xf32, #tpu.memory_space<hbm>>
    %dma_start3A_144 = arith.constant 0 : i32
    %dma_start3A_145 = arith.constant 0 : i32
    %dma_start3A_146 = tpu.memref_slice %arg9[%dma_start3A_144, %dma_start3A_145] : memref<512x64xf32, #tpu.memory_space<vmem>> -> memref<128x64xf32, #tpu.memory_space<vmem>>
    tpu.enqueue_dma source(%dma_start3A_146 : memref<128x64xf32, #tpu.memory_space<vmem>>) target(%dma_start3A_143 : memref<128x64xf32, #tpu.memory_space<hbm>>) target_semaphore(%arg17 : memref<!tpu.dma_semaphore, #tpu.memory_space<semaphore_mem>>)
    %dma_wait3A_147 = arith.constant 1 : i32
    %dma_wait3A_148 = arith.constant 128 : i32
    %dma_wait3A_149 = arith.constant 0 : i32
    %dma_wait3A_150 = tpu.memref_slice %arg9[%dma_wait3A_148, %dma_wait3A_149] : memref<512x64xf32, #tpu.memory_space<vmem>> -> memref<128x64xf32, #tpu.memory_space<vmem>>
    %dma_wait3A_151 = arith.constant 0 : i32
    %dma_wait3A_152 = tpu.memref_slice %arg7[%dma_wait3A_147, %dma_wait3A_151] : memref<4x128xi32, #tpu.memory_space<vmem>> -> memref<1x128xi32, #tpu.memory_space<vmem>>
    %dma_wait3A_153 = tpu.memref_squeeze %dma_wait3A_152 : memref<1x128xi32, #tpu.memory_space<vmem>> -> memref<128xi32, #tpu.memory_space<vmem>>
    %dma_wait3A_154 = arith.constant 0 : i32
    %dma_wait3A_155 = arith.constant 0 : i32
    %dma_wait3A_156 = tpu.memref_slice %arg4[%dma_wait3A_154, %dma_wait3A_155] : memref<10000x64xf32, #tpu.memory_space<hbm>> -> memref<10000x64xf32, #tpu.memory_space<hbm>>
    tpu.wait_indirect_dma semaphore(%arg14 : memref<!tpu.dma_semaphore, #tpu.memory_space<semaphore_mem>>) src(%dma_wait3A_156 : memref<10000x64xf32, #tpu.memory_space<hbm>>) dst(%dma_wait3A_150 : memref<128x64xf32, #tpu.memory_space<vmem>>)
    %dma_wait3A_157 = arith.constant 1 : i32
    %dma_wait3A_158 = arith.constant 128 : i32
    %dma_wait3A_159 = arith.constant 0 : i32
    %dma_wait3A_160 = tpu.memref_slice %arg10[%dma_wait3A_158, %dma_wait3A_159] : memref<512x64xf32, #tpu.memory_space<vmem>> -> memref<128x64xf32, #tpu.memory_space<vmem>>
    %dma_wait3A_161 = arith.constant 0 : i32
    %dma_wait3A_162 = tpu.memref_slice %arg8[%dma_wait3A_157, %dma_wait3A_161] : memref<4x128xi32, #tpu.memory_space<vmem>> -> memref<1x128xi32, #tpu.memory_space<vmem>>
    %dma_wait3A_163 = tpu.memref_squeeze %dma_wait3A_162 : memref<1x128xi32, #tpu.memory_space<vmem>> -> memref<128xi32, #tpu.memory_space<vmem>>
    %dma_wait3A_164 = arith.constant 0 : i32
    %dma_wait3A_165 = arith.constant 0 : i32
    %dma_wait3A_166 = tpu.memref_slice %arg5[%dma_wait3A_164, %dma_wait3A_165] : memref<1000x64xf32, #tpu.memory_space<hbm>> -> memref<1000x64xf32, #tpu.memory_space<hbm>>
    tpu.wait_indirect_dma semaphore(%arg14 : memref<!tpu.dma_semaphore, #tpu.memory_space<semaphore_mem>>) src(%dma_wait3A_166 : memref<1000x64xf32, #tpu.memory_space<hbm>>) dst(%dma_wait3A_160 : memref<128x64xf32, #tpu.memory_space<vmem>>)
    %parallel_loop3A_167 = arith.constant 0 : i32
    %parallel_loop3A_168 = arith.constant 128 : i32
    %parallel_loop3A_169 = arith.constant 1 : i32
    scf.for %parallel_loop3A_292 = %parallel_loop3A_167 to %parallel_loop3A_168 step %parallel_loop3A_169  : i32 {
      %parallel_loop3A_293 = arith.constant 128 : i32
      %parallel_loop3A_294 = arith.addi %parallel_loop3A_293, %parallel_loop3A_292 : i32
      %parallel_loop3A_295 = arith.index_cast %parallel_loop3A_294 : i32 to index
      %parallel_loop3A_296 = arith.constant 0 : index
      %parallel_loop3A_297 = tpu.vector_load %arg10[%parallel_loop3A_295, %parallel_loop3A_296] {strides = array<i32>} : memref<512x64xf32, #tpu.memory_space<vmem>>, vector<1x16xf32>,
      %parallel_loop3A_298 = vector.shape_cast %parallel_loop3A_297 : vector<1x16xf32> to vector<16xf32>
      %parallel_loop3A_299 = arith.index_cast %parallel_loop3A_294 : i32 to index
      %parallel_loop3A_300 = arith.constant 0 : index
      %parallel_loop3A_301 = tpu.vector_load %arg9[%parallel_loop3A_299, %parallel_loop3A_300] {strides = array<i32>} : memref<512x64xf32, #tpu.memory_space<vmem>>, vector<1x16xf32>,
      %parallel_loop3A_302 = vector.shape_cast %parallel_loop3A_301 : vector<1x16xf32> to vector<16xf32>
      %parallel_loop3A_303 = vector.shape_cast %parallel_loop3A_298 : vector<16xf32> to vector<1x16xf32>
      tpu.vector_store %arg9[%parallel_loop3A_299, %parallel_loop3A_300], %parallel_loop3A_303 {add = true, strides = array<i32>} : memref<512x64xf32, #tpu.memory_space<vmem>>, vector<1x16xf32>,
      %parallel_loop3A_304 = arith.index_cast %parallel_loop3A_294 : i32 to index
      %parallel_loop3A_305 = arith.constant 16 : index
      %parallel_loop3A_306 = tpu.vector_load %arg10[%parallel_loop3A_304, %parallel_loop3A_305] {strides = array<i32>} : memref<512x64xf32, #tpu.memory_space<vmem>>, vector<1x16xf32>,
      %parallel_loop3A_307 = vector.shape_cast %parallel_loop3A_306 : vector<1x16xf32> to vector<16xf32>
      %parallel_loop3A_308 = arith.index_cast %parallel_loop3A_294 : i32 to index
      %parallel_loop3A_309 = arith.constant 16 : index
      %parallel_loop3A_310 = tpu.vector_load %arg9[%parallel_loop3A_308, %parallel_loop3A_309] {strides = array<i32>} : memref<512x64xf32, #tpu.memory_space<vmem>>, vector<1x16xf32>,
      %parallel_loop3A_311 = vector.shape_cast %parallel_loop3A_310 : vector<1x16xf32> to vector<16xf32>
      %parallel_loop3A_312 = vector.shape_cast %parallel_loop3A_307 : vector<16xf32> to vector<1x16xf32>
      tpu.vector_store %arg9[%parallel_loop3A_308, %parallel_loop3A_309], %parallel_loop3A_312 {add = true, strides = array<i32>} : memref<512x64xf32, #tpu.memory_space<vmem>>, vector<1x16xf32>,
      %parallel_loop3A_313 = arith.index_cast %parallel_loop3A_294 : i32 to index
      %parallel_loop3A_314 = arith.constant 32 : index
      %parallel_loop3A_315 = tpu.vector_load %arg10[%parallel_loop3A_313, %parallel_loop3A_314] {strides = array<i32>} : memref<512x64xf32, #tpu.memory_space<vmem>>, vector<1x16xf32>,
      %parallel_loop3A_316 = vector.shape_cast %parallel_loop3A_315 : vector<1x16xf32> to vector<16xf32>
      %parallel_loop3A_317 = arith.index_cast %parallel_loop3A_294 : i32 to index
      %parallel_loop3A_318 = arith.constant 32 : index
      %parallel_loop3A_319 = tpu.vector_load %arg9[%parallel_loop3A_317, %parallel_loop3A_318] {strides = array<i32>} : memref<512x64xf32, #tpu.memory_space<vmem>>, vector<1x16xf32>,
      %parallel_loop3A_320 = vector.shape_cast %parallel_loop3A_319 : vector<1x16xf32> to vector<16xf32>
      %parallel_loop3A_321 = vector.shape_cast %parallel_loop3A_316 : vector<16xf32> to vector<1x16xf32>
      tpu.vector_store %arg9[%parallel_loop3A_317, %parallel_loop3A_318], %parallel_loop3A_321 {add = true, strides = array<i32>} : memref<512x64xf32, #tpu.memory_space<vmem>>, vector<1x16xf32>,
      %parallel_loop3A_322 = arith.index_cast %parallel_loop3A_294 : i32 to index
      %parallel_loop3A_323 = arith.constant 48 : index
      %parallel_loop3A_324 = tpu.vector_load %arg10[%parallel_loop3A_322, %parallel_loop3A_323] {strides = array<i32>} : memref<512x64xf32, #tpu.memory_space<vmem>>, vector<1x16xf32>,
      %parallel_loop3A_325 = vector.shape_cast %parallel_loop3A_324 : vector<1x16xf32> to vector<16xf32>
      %parallel_loop3A_326 = arith.index_cast %parallel_loop3A_294 : i32 to index
      %parallel_loop3A_327 = arith.constant 48 : index
      %parallel_loop3A_328 = tpu.vector_load %arg9[%parallel_loop3A_326, %parallel_loop3A_327] {strides = array<i32>} : memref<512x64xf32, #tpu.memory_space<vmem>>, vector<1x16xf32>,
      %parallel_loop3A_329 = vector.shape_cast %parallel_loop3A_328 : vector<1x16xf32> to vector<16xf32>
      %parallel_loop3A_330 = vector.shape_cast %parallel_loop3A_325 : vector<16xf32> to vector<1x16xf32>
      tpu.vector_store %arg9[%parallel_loop3A_326, %parallel_loop3A_327], %parallel_loop3A_330 {add = true, strides = array<i32>} : memref<512x64xf32, #tpu.memory_space<vmem>>, vector<1x16xf32>,
    } {sc.loop_unroll_factor = 4 : i64, sc.parallel_access}
    %add3A_170 = arith.constant 128 : i32
    %add3A_171 = arith.addi %mul3A_2, %add3A_170 : i32
    %dma_start3A_172 = arith.constant 128 : i32
    %dma_start3A_173 = arith.constant 0 : i32
    %dma_start3A_174 = tpu.memref_slice %arg9[%dma_start3A_172, %dma_start3A_173] : memref<512x64xf32, #tpu.memory_space<vmem>> -> memref<128x64xf32, #tpu.memory_space<vmem>>
    %dma_start3A_175 = arith.constant 0 : i32
    %dma_start3A_176 = tpu.memref_slice %arg6[%add3A_171, %dma_start3A_175] : memref<16384x64xf32, #tpu.memory_space<hbm>> -> memref<128x64xf32, #tpu.memory_space<hbm>>
    %dma_start3A_177 = arith.constant 0 : i32
    %dma_start3A_178 = tpu.memref_slice %arg6[%add3A_171, %dma_start3A_177] : memref<16384x64xf32, #tpu.memory_space<hbm>> -> memref<128x64xf32, #tpu.memory_space<hbm>>
    %dma_start3A_179 = arith.constant 128 : i32
    %dma_start3A_180 = arith.constant 0 : i32
    %dma_start3A_181 = tpu.memref_slice %arg9[%dma_start3A_179, %dma_start3A_180] : memref<512x64xf32, #tpu.memory_space<vmem>> -> memref<128x64xf32, #tpu.memory_space<vmem>>
    tpu.enqueue_dma source(%dma_start3A_181 : memref<128x64xf32, #tpu.memory_space<vmem>>) target(%dma_start3A_178 : memref<128x64xf32, #tpu.memory_space<hbm>>) target_semaphore(%arg17 : memref<!tpu.dma_semaphore, #tpu.memory_space<semaphore_mem>>)
    %dma_wait3A_182 = arith.constant 2 : i32
    %dma_wait3A_183 = arith.constant 256 : i32
    %dma_wait3A_184 = arith.constant 0 : i32
    %dma_wait3A_185 = tpu.memref_slice %arg9[%dma_wait3A_183, %dma_wait3A_184] : memref<512x64xf32, #tpu.memory_space<vmem>> -> memref<128x64xf32, #tpu.memory_space<vmem>>
    %dma_wait3A_186 = arith.constant 0 : i32
    %dma_wait3A_187 = tpu.memref_slice %arg7[%dma_wait3A_182, %dma_wait3A_186] : memref<4x128xi32, #tpu.memory_space<vmem>> -> memref<1x128xi32, #tpu.memory_space<vmem>>
    %dma_wait3A_188 = tpu.memref_squeeze %dma_wait3A_187 : memref<1x128xi32, #tpu.memory_space<vmem>> -> memref<128xi32, #tpu.memory_space<vmem>>
    %dma_wait3A_189 = arith.constant 0 : i32
    %dma_wait3A_190 = arith.constant 0 : i32
    %dma_wait3A_191 = tpu.memref_slice %arg4[%dma_wait3A_189, %dma_wait3A_190] : memref<10000x64xf32, #tpu.memory_space<hbm>> -> memref<10000x64xf32, #tpu.memory_space<hbm>>
    tpu.wait_indirect_dma semaphore(%arg15 : memref<!tpu.dma_semaphore, #tpu.memory_space<semaphore_mem>>) src(%dma_wait3A_191 : memref<10000x64xf32, #tpu.memory_space<hbm>>) dst(%dma_wait3A_185 : memref<128x64xf32, #tpu.memory_space<vmem>>)
    %dma_wait3A_192 = arith.constant 2 : i32
    %dma_wait3A_193 = arith.constant 256 : i32
    %dma_wait3A_194 = arith.constant 0 : i32
    %dma_wait3A_195 = tpu.memref_slice %arg10[%dma_wait3A_193, %dma_wait3A_194] : memref<512x64xf32, #tpu.memory_space<vmem>> -> memref<128x64xf32, #tpu.memory_space<vmem>>
    %dma_wait3A_196 = arith.constant 0 : i32
    %dma_wait3A_197 = tpu.memref_slice %arg8[%dma_wait3A_192, %dma_wait3A_196] : memref<4x128xi32, #tpu.memory_space<vmem>> -> memref<1x128xi32, #tpu.memory_space<vmem>>
    %dma_wait3A_198 = tpu.memref_squeeze %dma_wait3A_197 : memref<1x128xi32, #tpu.memory_space<vmem>> -> memref<128xi32, #tpu.memory_space<vmem>>
    %dma_wait3A_199 = arith.constant 0 : i32
    %dma_wait3A_200 = arith.constant 0 : i32
    %dma_wait3A_201 = tpu.memref_slice %arg5[%dma_wait3A_199, %dma_wait3A_200] : memref<1000x64xf32, #tpu.memory_space<hbm>> -> memref<1000x64xf32, #tpu.memory_space<hbm>>
    tpu.wait_indirect_dma semaphore(%arg15 : memref<!tpu.dma_semaphore, #tpu.memory_space<semaphore_mem>>) src(%dma_wait3A_201 : memref<1000x64xf32, #tpu.memory_space<hbm>>) dst(%dma_wait3A_195 : memref<128x64xf32, #tpu.memory_space<vmem>>)
    %parallel_loop3A_202 = arith.constant 0 : i32
    %parallel_loop3A_203 = arith.constant 128 : i32
    %parallel_loop3A_204 = arith.constant 1 : i32
    scf.for %parallel_loop3A_292 = %parallel_loop3A_202 to %parallel_loop3A_203 step %parallel_loop3A_204  : i32 {
      %parallel_loop3A_293 = arith.constant 256 : i32
      %parallel_loop3A_294 = arith.addi %parallel_loop3A_293, %parallel_loop3A_292 : i32
      %parallel_loop3A_295 = arith.index_cast %parallel_loop3A_294 : i32 to index
      %parallel_loop3A_296 = arith.constant 0 : index
      %parallel_loop3A_297 = tpu.vector_load %arg10[%parallel_loop3A_295, %parallel_loop3A_296] {strides = array<i32>} : memref<512x64xf32, #tpu.memory_space<vmem>>, vector<1x16xf32>,
      %parallel_loop3A_298 = vector.shape_cast %parallel_loop3A_297 : vector<1x16xf32> to vector<16xf32>
      %parallel_loop3A_299 = arith.index_cast %parallel_loop3A_294 : i32 to index
      %parallel_loop3A_300 = arith.constant 0 : index
      %parallel_loop3A_301 = tpu.vector_load %arg9[%parallel_loop3A_299, %parallel_loop3A_300] {strides = array<i32>} : memref<512x64xf32, #tpu.memory_space<vmem>>, vector<1x16xf32>,
      %parallel_loop3A_302 = vector.shape_cast %parallel_loop3A_301 : vector<1x16xf32> to vector<16xf32>
      %parallel_loop3A_303 = vector.shape_cast %parallel_loop3A_298 : vector<16xf32> to vector<1x16xf32>
      tpu.vector_store %arg9[%parallel_loop3A_299, %parallel_loop3A_300], %parallel_loop3A_303 {add = true, strides = array<i32>} : memref<512x64xf32, #tpu.memory_space<vmem>>, vector<1x16xf32>,
      %parallel_loop3A_304 = arith.index_cast %parallel_loop3A_294 : i32 to index
      %parallel_loop3A_305 = arith.constant 16 : index
      %parallel_loop3A_306 = tpu.vector_load %arg10[%parallel_loop3A_304, %parallel_loop3A_305] {strides = array<i32>} : memref<512x64xf32, #tpu.memory_space<vmem>>, vector<1x16xf32>,
      %parallel_loop3A_307 = vector.shape_cast %parallel_loop3A_306 : vector<1x16xf32> to vector<16xf32>
      %parallel_loop3A_308 = arith.index_cast %parallel_loop3A_294 : i32 to index
      %parallel_loop3A_309 = arith.constant 16 : index
      %parallel_loop3A_310 = tpu.vector_load %arg9[%parallel_loop3A_308, %parallel_loop3A_309] {strides = array<i32>} : memref<512x64xf32, #tpu.memory_space<vmem>>, vector<1x16xf32>,
      %parallel_loop3A_311 = vector.shape_cast %parallel_loop3A_310 : vector<1x16xf32> to vector<16xf32>
      %parallel_loop3A_312 = vector.shape_cast %parallel_loop3A_307 : vector<16xf32> to vector<1x16xf32>
      tpu.vector_store %arg9[%parallel_loop3A_308, %parallel_loop3A_309], %parallel_loop3A_312 {add = true, strides = array<i32>} : memref<512x64xf32, #tpu.memory_space<vmem>>, vector<1x16xf32>,
      %parallel_loop3A_313 = arith.index_cast %parallel_loop3A_294 : i32 to index
      %parallel_loop3A_314 = arith.constant 32 : index
      %parallel_loop3A_315 = tpu.vector_load %arg10[%parallel_loop3A_313, %parallel_loop3A_314] {strides = array<i32>} : memref<512x64xf32, #tpu.memory_space<vmem>>, vector<1x16xf32>,
      %parallel_loop3A_316 = vector.shape_cast %parallel_loop3A_315 : vector<1x16xf32> to vector<16xf32>
      %parallel_loop3A_317 = arith.index_cast %parallel_loop3A_294 : i32 to index
      %parallel_loop3A_318 = arith.constant 32 : index
      %parallel_loop3A_319 = tpu.vector_load %arg9[%parallel_loop3A_317, %parallel_loop3A_318] {strides = array<i32>} : memref<512x64xf32, #tpu.memory_space<vmem>>, vector<1x16xf32>,
      %parallel_loop3A_320 = vector.shape_cast %parallel_loop3A_319 : vector<1x16xf32> to vector<16xf32>
      %parallel_loop3A_321 = vector.shape_cast %parallel_loop3A_316 : vector<16xf32> to vector<1x16xf32>
      tpu.vector_store %arg9[%parallel_loop3A_317, %parallel_loop3A_318], %parallel_loop3A_321 {add = true, strides = array<i32>} : memref<512x64xf32, #tpu.memory_space<vmem>>, vector<1x16xf32>,
      %parallel_loop3A_322 = arith.index_cast %parallel_loop3A_294 : i32 to index
      %parallel_loop3A_323 = arith.constant 48 : index
      %parallel_loop3A_324 = tpu.vector_load %arg10[%parallel_loop3A_322, %parallel_loop3A_323] {strides = array<i32>} : memref<512x64xf32, #tpu.memory_space<vmem>>, vector<1x16xf32>,
      %parallel_loop3A_325 = vector.shape_cast %parallel_loop3A_324 : vector<1x16xf32> to vector<16xf32>
      %parallel_loop3A_326 = arith.index_cast %parallel_loop3A_294 : i32 to index
      %parallel_loop3A_327 = arith.constant 48 : index
      %parallel_loop3A_328 = tpu.vector_load %arg9[%parallel_loop3A_326, %parallel_loop3A_327] {strides = array<i32>} : memref<512x64xf32, #tpu.memory_space<vmem>>, vector<1x16xf32>,
      %parallel_loop3A_329 = vector.shape_cast %parallel_loop3A_328 : vector<1x16xf32> to vector<16xf32>
      %parallel_loop3A_330 = vector.shape_cast %parallel_loop3A_325 : vector<16xf32> to vector<1x16xf32>
      tpu.vector_store %arg9[%parallel_loop3A_326, %parallel_loop3A_327], %parallel_loop3A_330 {add = true, strides = array<i32>} : memref<512x64xf32, #tpu.memory_space<vmem>>, vector<1x16xf32>,
    } {sc.loop_unroll_factor = 4 : i64, sc.parallel_access}
    %add3A_205 = arith.constant 256 : i32
    %add3A_206 = arith.addi %mul3A_2, %add3A_205 : i32
    %dma_start3A_207 = arith.constant 256 : i32
    %dma_start3A_208 = arith.constant 0 : i32
    %dma_start3A_209 = tpu.memref_slice %arg9[%dma_start3A_207, %dma_start3A_208] : memref<512x64xf32, #tpu.memory_space<vmem>> -> memref<128x64xf32, #tpu.memory_space<vmem>>
    %dma_start3A_210 = arith.constant 0 : i32
    %dma_start3A_211 = tpu.memref_slice %arg6[%add3A_206, %dma_start3A_210] : memref<16384x64xf32, #tpu.memory_space<hbm>> -> memref<128x64xf32, #tpu.memory_space<hbm>>
    %dma_start3A_212 = arith.constant 0 : i32
    %dma_start3A_213 = tpu.memref_slice %arg6[%add3A_206, %dma_start3A_212] : memref<16384x64xf32, #tpu.memory_space<hbm>> -> memref<128x64xf32, #tpu.memory_space<hbm>>
    %dma_start3A_214 = arith.constant 256 : i32
    %dma_start3A_215 = arith.constant 0 : i32
    %dma_start3A_216 = tpu.memref_slice %arg9[%dma_start3A_214, %dma_start3A_215] : memref<512x64xf32, #tpu.memory_space<vmem>> -> memref<128x64xf32, #tpu.memory_space<vmem>>
    tpu.enqueue_dma source(%dma_start3A_216 : memref<128x64xf32, #tpu.memory_space<vmem>>) target(%dma_start3A_213 : memref<128x64xf32, #tpu.memory_space<hbm>>) target_semaphore(%arg17 : memref<!tpu.dma_semaphore, #tpu.memory_space<semaphore_mem>>)
    %dma_wait3A_217 = arith.constant 3 : i32
    %dma_wait3A_218 = arith.constant 384 : i32
    %dma_wait3A_219 = arith.constant 0 : i32
    %dma_wait3A_220 = tpu.memref_slice %arg9[%dma_wait3A_218, %dma_wait3A_219] : memref<512x64xf32, #tpu.memory_space<vmem>> -> memref<128x64xf32, #tpu.memory_space<vmem>>
    %dma_wait3A_221 = arith.constant 0 : i32
    %dma_wait3A_222 = tpu.memref_slice %arg7[%dma_wait3A_217, %dma_wait3A_221] : memref<4x128xi32, #tpu.memory_space<vmem>> -> memref<1x128xi32, #tpu.memory_space<vmem>>
    %dma_wait3A_223 = tpu.memref_squeeze %dma_wait3A_222 : memref<1x128xi32, #tpu.memory_space<vmem>> -> memref<128xi32, #tpu.memory_space<vmem>>
    %dma_wait3A_224 = arith.constant 0 : i32
    %dma_wait3A_225 = arith.constant 0 : i32
    %dma_wait3A_226 = tpu.memref_slice %arg4[%dma_wait3A_224, %dma_wait3A_225] : memref<10000x64xf32, #tpu.memory_space<hbm>> -> memref<10000x64xf32, #tpu.memory_space<hbm>>
    tpu.wait_indirect_dma semaphore(%arg16 : memref<!tpu.dma_semaphore, #tpu.memory_space<semaphore_mem>>) src(%dma_wait3A_226 : memref<10000x64xf32, #tpu.memory_space<hbm>>) dst(%dma_wait3A_220 : memref<128x64xf32, #tpu.memory_space<vmem>>)
    %dma_wait3A_227 = arith.constant 3 : i32
    %dma_wait3A_228 = arith.constant 384 : i32
    %dma_wait3A_229 = arith.constant 0 : i32
    %dma_wait3A_230 = tpu.memref_slice %arg10[%dma_wait3A_228, %dma_wait3A_229] : memref<512x64xf32, #tpu.memory_space<vmem>> -> memref<128x64xf32, #tpu.memory_space<vmem>>
    %dma_wait3A_231 = arith.constant 0 : i32
    %dma_wait3A_232 = tpu.memref_slice %arg8[%dma_wait3A_227, %dma_wait3A_231] : memref<4x128xi32, #tpu.memory_space<vmem>> -> memref<1x128xi32, #tpu.memory_space<vmem>>
    %dma_wait3A_233 = tpu.memref_squeeze %dma_wait3A_232 : memref<1x128xi32, #tpu.memory_space<vmem>> -> memref<128xi32, #tpu.memory_space<vmem>>
    %dma_wait3A_234 = arith.constant 0 : i32
    %dma_wait3A_235 = arith.constant 0 : i32
    %dma_wait3A_236 = tpu.memref_slice %arg5[%dma_wait3A_234, %dma_wait3A_235] : memref<1000x64xf32, #tpu.memory_space<hbm>> -> memref<1000x64xf32, #tpu.memory_space<hbm>>
    tpu.wait_indirect_dma semaphore(%arg16 : memref<!tpu.dma_semaphore, #tpu.memory_space<semaphore_mem>>) src(%dma_wait3A_236 : memref<1000x64xf32, #tpu.memory_space<hbm>>) dst(%dma_wait3A_230 : memref<128x64xf32, #tpu.memory_space<vmem>>)
    %parallel_loop3A_237 = arith.constant 0 : i32
    %parallel_loop3A_238 = arith.constant 128 : i32
    %parallel_loop3A_239 = arith.constant 1 : i32
    scf.for %parallel_loop3A_292 = %parallel_loop3A_237 to %parallel_loop3A_238 step %parallel_loop3A_239  : i32 {
      %parallel_loop3A_293 = arith.constant 384 : i32
      %parallel_loop3A_294 = arith.addi %parallel_loop3A_293, %parallel_loop3A_292 : i32
      %parallel_loop3A_295 = arith.index_cast %parallel_loop3A_294 : i32 to index
      %parallel_loop3A_296 = arith.constant 0 : index
      %parallel_loop3A_297 = tpu.vector_load %arg10[%parallel_loop3A_295, %parallel_loop3A_296] {strides = array<i32>} : memref<512x64xf32, #tpu.memory_space<vmem>>, vector<1x16xf32>,
      %parallel_loop3A_298 = vector.shape_cast %parallel_loop3A_297 : vector<1x16xf32> to vector<16xf32>
      %parallel_loop3A_299 = arith.index_cast %parallel_loop3A_294 : i32 to index
      %parallel_loop3A_300 = arith.constant 0 : index
      %parallel_loop3A_301 = tpu.vector_load %arg9[%parallel_loop3A_299, %parallel_loop3A_300] {strides = array<i32>} : memref<512x64xf32, #tpu.memory_space<vmem>>, vector<1x16xf32>,
      %parallel_loop3A_302 = vector.shape_cast %parallel_loop3A_301 : vector<1x16xf32> to vector<16xf32>
      %parallel_loop3A_303 = vector.shape_cast %parallel_loop3A_298 : vector<16xf32> to vector<1x16xf32>
      tpu.vector_store %arg9[%parallel_loop3A_299, %parallel_loop3A_300], %parallel_loop3A_303 {add = true, strides = array<i32>} : memref<512x64xf32, #tpu.memory_space<vmem>>, vector<1x16xf32>,
      %parallel_loop3A_304 = arith.index_cast %parallel_loop3A_294 : i32 to index
      %parallel_loop3A_305 = arith.constant 16 : index
      %parallel_loop3A_306 = tpu.vector_load %arg10[%parallel_loop3A_304, %parallel_loop3A_305] {strides = array<i32>} : memref<512x64xf32, #tpu.memory_space<vmem>>, vector<1x16xf32>,
      %parallel_loop3A_307 = vector.shape_cast %parallel_loop3A_306 : vector<1x16xf32> to vector<16xf32>
      %parallel_loop3A_308 = arith.index_cast %parallel_loop3A_294 : i32 to index
      %parallel_loop3A_309 = arith.constant 16 : index
      %parallel_loop3A_310 = tpu.vector_load %arg9[%parallel_loop3A_308, %parallel_loop3A_309] {strides = array<i32>} : memref<512x64xf32, #tpu.memory_space<vmem>>, vector<1x16xf32>,
      %parallel_loop3A_311 = vector.shape_cast %parallel_loop3A_310 : vector<1x16xf32> to vector<16xf32>
      %parallel_loop3A_312 = vector.shape_cast %parallel_loop3A_307 : vector<16xf32> to vector<1x16xf32>
      tpu.vector_store %arg9[%parallel_loop3A_308, %parallel_loop3A_309], %parallel_loop3A_312 {add = true, strides = array<i32>} : memref<512x64xf32, #tpu.memory_space<vmem>>, vector<1x16xf32>,
      %parallel_loop3A_313 = arith.index_cast %parallel_loop3A_294 : i32 to index
      %parallel_loop3A_314 = arith.constant 32 : index
      %parallel_loop3A_315 = tpu.vector_load %arg10[%parallel_loop3A_313, %parallel_loop3A_314] {strides = array<i32>} : memref<512x64xf32, #tpu.memory_space<vmem>>, vector<1x16xf32>,
      %parallel_loop3A_316 = vector.shape_cast %parallel_loop3A_315 : vector<1x16xf32> to vector<16xf32>
      %parallel_loop3A_317 = arith.index_cast %parallel_loop3A_294 : i32 to index
      %parallel_loop3A_318 = arith.constant 32 : index
      %parallel_loop3A_319 = tpu.vector_load %arg9[%parallel_loop3A_317, %parallel_loop3A_318] {strides = array<i32>} : memref<512x64xf32, #tpu.memory_space<vmem>>, vector<1x16xf32>,
      %parallel_loop3A_320 = vector.shape_cast %parallel_loop3A_319 : vector<1x16xf32> to vector<16xf32>
      %parallel_loop3A_321 = vector.shape_cast %parallel_loop3A_316 : vector<16xf32> to vector<1x16xf32>
      tpu.vector_store %arg9[%parallel_loop3A_317, %parallel_loop3A_318], %parallel_loop3A_321 {add = true, strides = array<i32>} : memref<512x64xf32, #tpu.memory_space<vmem>>, vector<1x16xf32>,
      %parallel_loop3A_322 = arith.index_cast %parallel_loop3A_294 : i32 to index
      %parallel_loop3A_323 = arith.constant 48 : index
      %parallel_loop3A_324 = tpu.vector_load %arg10[%parallel_loop3A_322, %parallel_loop3A_323] {strides = array<i32>} : memref<512x64xf32, #tpu.memory_space<vmem>>, vector<1x16xf32>,
      %parallel_loop3A_325 = vector.shape_cast %parallel_loop3A_324 : vector<1x16xf32> to vector<16xf32>
      %parallel_loop3A_326 = arith.index_cast %parallel_loop3A_294 : i32 to index
      %parallel_loop3A_327 = arith.constant 48 : index
      %parallel_loop3A_328 = tpu.vector_load %arg9[%parallel_loop3A_326, %parallel_loop3A_327] {strides = array<i32>} : memref<512x64xf32, #tpu.memory_space<vmem>>, vector<1x16xf32>,
      %parallel_loop3A_329 = vector.shape_cast %parallel_loop3A_328 : vector<1x16xf32> to vector<16xf32>
      %parallel_loop3A_330 = vector.shape_cast %parallel_loop3A_325 : vector<16xf32> to vector<1x16xf32>
      tpu.vector_store %arg9[%parallel_loop3A_326, %parallel_loop3A_327], %parallel_loop3A_330 {add = true, strides = array<i32>} : memref<512x64xf32, #tpu.memory_space<vmem>>, vector<1x16xf32>,
    } {sc.loop_unroll_factor = 4 : i64, sc.parallel_access}
    %add3A_240 = arith.constant 384 : i32
    %add3A_241 = arith.addi %mul3A_2, %add3A_240 : i32
    %dma_start3A_242 = arith.constant 384 : i32
    %dma_start3A_243 = arith.constant 0 : i32
    %dma_start3A_244 = tpu.memref_slice %arg9[%dma_start3A_242, %dma_start3A_243] : memref<512x64xf32, #tpu.memory_space<vmem>> -> memref<128x64xf32, #tpu.memory_space<vmem>>
    %dma_start3A_245 = arith.constant 0 : i32
    %dma_start3A_246 = tpu.memref_slice %arg6[%add3A_241, %dma_start3A_245] : memref<16384x64xf32, #tpu.memory_space<hbm>> -> memref<128x64xf32, #tpu.memory_space<hbm>>
    %dma_start3A_247 = arith.constant 0 : i32
    %dma_start3A_248 = tpu.memref_slice %arg6[%add3A_241, %dma_start3A_247] : memref<16384x64xf32, #tpu.memory_space<hbm>> -> memref<128x64xf32, #tpu.memory_space<hbm>>
    %dma_start3A_249 = arith.constant 384 : i32
    %dma_start3A_250 = arith.constant 0 : i32
    %dma_start3A_251 = tpu.memref_slice %arg9[%dma_start3A_249, %dma_start3A_250] : memref<512x64xf32, #tpu.memory_space<vmem>> -> memref<128x64xf32, #tpu.memory_space<vmem>>
    tpu.enqueue_dma source(%dma_start3A_251 : memref<128x64xf32, #tpu.memory_space<vmem>>) target(%dma_start3A_248 : memref<128x64xf32, #tpu.memory_space<hbm>>) target_semaphore(%arg17 : memref<!tpu.dma_semaphore, #tpu.memory_space<semaphore_mem>>)
    %dma_wait3A_252 = arith.constant 0 : i32
    %dma_wait3A_253 = arith.constant 0 : i32
    %dma_wait3A_254 = tpu.memref_slice %arg9[%dma_wait3A_252, %dma_wait3A_253] : memref<512x64xf32, #tpu.memory_space<vmem>> -> memref<128x64xf32, #tpu.memory_space<vmem>>
    %dma_wait3A_255 = arith.constant 0 : i32
    %dma_wait3A_256 = tpu.memref_slice %arg6[%add3A_136, %dma_wait3A_255] : memref<16384x64xf32, #tpu.memory_space<hbm>> -> memref<128x64xf32, #tpu.memory_space<hbm>>
    %dma_wait3A_257 = arith.constant 0 : i32
    %dma_wait3A_258 = tpu.memref_slice %arg6[%add3A_136, %dma_wait3A_257] : memref<16384x64xf32, #tpu.memory_space<hbm>> -> memref<128x64xf32, #tpu.memory_space<hbm>>
    %dma_wait3A_259 = arith.constant 0 : i32
    %dma_wait3A_260 = arith.constant 0 : i32
    %dma_wait3A_261 = tpu.memref_slice %arg9[%dma_wait3A_259, %dma_wait3A_260] : memref<512x64xf32, #tpu.memory_space<vmem>> -> memref<128x64xf32, #tpu.memory_space<vmem>>
    tpu.wait_dma2 semaphore(%arg17 : memref<!tpu.dma_semaphore, #tpu.memory_space<semaphore_mem>>) src(%dma_wait3A_261 : memref<128x64xf32, #tpu.memory_space<vmem>>) dst(%dma_wait3A_258 : memref<128x64xf32, #tpu.memory_space<hbm>>)
    %dma_wait3A_262 = arith.constant 128 : i32
    %dma_wait3A_263 = arith.constant 0 : i32
    %dma_wait3A_264 = tpu.memref_slice %arg9[%dma_wait3A_262, %dma_wait3A_263] : memref<512x64xf32, #tpu.memory_space<vmem>> -> memref<128x64xf32, #tpu.memory_space<vmem>>
    %dma_wait3A_265 = arith.constant 0 : i32
    %dma_wait3A_266 = tpu.memref_slice %arg6[%add3A_171, %dma_wait3A_265] : memref<16384x64xf32, #tpu.memory_space<hbm>> -> memref<128x64xf32, #tpu.memory_space<hbm>>
    %dma_wait3A_267 = arith.constant 0 : i32
    %dma_wait3A_268 = tpu.memref_slice %arg6[%add3A_171, %dma_wait3A_267] : memref<16384x64xf32, #tpu.memory_space<hbm>> -> memref<128x64xf32, #tpu.memory_space<hbm>>
    %dma_wait3A_269 = arith.constant 128 : i32
    %dma_wait3A_270 = arith.constant 0 : i32
    %dma_wait3A_271 = tpu.memref_slice %arg9[%dma_wait3A_269, %dma_wait3A_270] : memref<512x64xf32, #tpu.memory_space<vmem>> -> memref<128x64xf32, #tpu.memory_space<vmem>>
    tpu.wait_dma2 semaphore(%arg17 : memref<!tpu.dma_semaphore, #tpu.memory_space<semaphore_mem>>) src(%dma_wait3A_271 : memref<128x64xf32, #tpu.memory_space<vmem>>) dst(%dma_wait3A_268 : memref<128x64xf32, #tpu.memory_space<hbm>>)
    %dma_wait3A_272 = arith.constant 256 : i32
    %dma_wait3A_273 = arith.constant 0 : i32
    %dma_wait3A_274 = tpu.memref_slice %arg9[%dma_wait3A_272, %dma_wait3A_273] : memref<512x64xf32, #tpu.memory_space<vmem>> -> memref<128x64xf32, #tpu.memory_space<vmem>>
    %dma_wait3A_275 = arith.constant 0 : i32
    %dma_wait3A_276 = tpu.memref_slice %arg6[%add3A_206, %dma_wait3A_275] : memref<16384x64xf32, #tpu.memory_space<hbm>> -> memref<128x64xf32, #tpu.memory_space<hbm>>
    %dma_wait3A_277 = arith.constant 0 : i32
    %dma_wait3A_278 = tpu.memref_slice %arg6[%add3A_206, %dma_wait3A_277] : memref<16384x64xf32, #tpu.memory_space<hbm>> -> memref<128x64xf32, #tpu.memory_space<hbm>>
    %dma_wait3A_279 = arith.constant 256 : i32
    %dma_wait3A_280 = arith.constant 0 : i32
    %dma_wait3A_281 = tpu.memref_slice %arg9[%dma_wait3A_279, %dma_wait3A_280] : memref<512x64xf32, #tpu.memory_space<vmem>> -> memref<128x64xf32, #tpu.memory_space<vmem>>
    tpu.wait_dma2 semaphore(%arg17 : memref<!tpu.dma_semaphore, #tpu.memory_space<semaphore_mem>>) src(%dma_wait3A_281 : memref<128x64xf32, #tpu.memory_space<vmem>>) dst(%dma_wait3A_278 : memref<128x64xf32, #tpu.memory_space<hbm>>)
    %dma_wait3A_282 = arith.constant 384 : i32
    %dma_wait3A_283 = arith.constant 0 : i32
    %dma_wait3A_284 = tpu.memref_slice %arg9[%dma_wait3A_282, %dma_wait3A_283] : memref<512x64xf32, #tpu.memory_space<vmem>> -> memref<128x64xf32, #tpu.memory_space<vmem>>
    %dma_wait3A_285 = arith.constant 0 : i32
    %dma_wait3A_286 = tpu.memref_slice %arg6[%add3A_241, %dma_wait3A_285] : memref<16384x64xf32, #tpu.memory_space<hbm>> -> memref<128x64xf32, #tpu.memory_space<hbm>>
    %dma_wait3A_287 = arith.constant 0 : i32
    %dma_wait3A_288 = tpu.memref_slice %arg6[%add3A_241, %dma_wait3A_287] : memref<16384x64xf32, #tpu.memory_space<hbm>> -> memref<128x64xf32, #tpu.memory_space<hbm>>
    %dma_wait3A_289 = arith.constant 384 : i32
    %dma_wait3A_290 = arith.constant 0 : i32
    %dma_wait3A_291 = tpu.memref_slice %arg9[%dma_wait3A_289, %dma_wait3A_290] : memref<512x64xf32, #tpu.memory_space<vmem>> -> memref<128x64xf32, #tpu.memory_space<vmem>>
    tpu.wait_dma2 semaphore(%arg17 : memref<!tpu.dma_semaphore, #tpu.memory_space<semaphore_mem>>) src(%dma_wait3A_291 : memref<128x64xf32, #tpu.memory_space<vmem>>) dst(%dma_wait3A_288 : memref<128x64xf32, #tpu.memory_space<hbm>>)
    return
  }
}

</mosaic_0001>

<sc_bundles>
// kernel: kernel.3.cloned.1.call-start
scs
__scs_entry_jumppad:
0x0: {  	(pc) =	sbr.rel $0x88, $3  }
0x1: {  	(tag) =	ssettag $0x0;
	lr =	simm.s32 $0x1  }
0x2: {  	[smem:$0x3F9D] =	sst lr;
	_ =	strace $0xD0000000  }
0x3: {  	_ = 	snop  }
0x4: {  	_ = 	snop  }
0x5: {  	_ = 	snop  }
0x6: {  	_ = 	snop  }
0x7: {  	_ = 	snop  }
__scs_overlays_trampoline_lowered:
0x8: {  	[smem:$0x3FAC] =	sst s0  }
0x9: {  	[smem:$0x3FAD] =	sst s1  }
0xa: {  	[smem:$0x3FAE] =	sst s2  }
0xb: {  	[smem:$0x3FAF] =	sst s3  }
0xc: {  	[smem:$0x3FB0] =	sst s4  }
0xd: {  	[smem:$0x3FB1] =	sst s5  }
0xe: {  	[smem:$0x3FB2] =	sst s6  }
0xf: {  	[smem:$0x3FB3] =	sst s7  }
0x10: {  	[smem:$0x3FB4] =	sst s8  }
0x11: {  	[smem:$0x3FB5] =	sst s9;
	s0 =	simm.s32 @!p0 $0x0  }
0x12: {  	s1 =	sld [smem:$0x3F9B];
	s0 =	simm.s32 @p0 $0x1  }
0x13: {  	[smem:$0x3FB6] =	sst s0;
	s0 =	simm.s32 @!p1 $0x0  }
0x14: {  	s2 =	sld [smem:$0x3F9A];
	s0 =	simm.s32 @p1 $0x1  }
0x15: {  	[smem:$0x3FB7] =	sst s0;
	s0 =	simm.s32 @!p2 $0x0  }
0x16: {  	s3 =	sld [smem:$0x3FDB];
	s0 =	simm.s32 @p2 $0x1  }
0x17: {  	s4 =	simm.s32 $0x1BF5;
	[smem:$0x3FB9] =	sst s0  }
0x18: {  	s0 =	sld [smem:$0x3F9C];
	_ =	swait.ge [sflag:s4], $0x0  }
0x19: {  	s7 =	sld [smem:$0x3F9D]  }
0x1a: {  	s8 =	sadd.s32 $0xFFFFE003, lr  }
0x1b: {  	s9 =	sadd.s32 $0xFFFFFEF7, lr;
	s5 =	simm.s32 $0xFFFFFFFF;
	p2 =	slt.u32 s8, $0xFFFFF086  }
0x1c: {  	p1 =	slt.u32 s9, $0xF7A;
	s5 =	simm.s32 @!p2 $0x0  }
0x1d: {  	s5 =	simm.s32 @p1 $0x1;
	p0 =	seq.s32 s7, s2  }
0x1e: {  	s7 =	smul.u32 @!p0 $0xF7A, s2;
	p2 =	seq.s32 @!p0 s5, $0x0  }
0x1f: {  	s9 =	smul.u32 $0xF7A, s1;
	s8 =	simm.s32 @!p0 $0x1BF5;
	p2 =	por !p2, p0  }
0x20: {  	[sflag:s8] =	ssyncset.s32 @!p0 $0xFFFFF086;
	s6 =	sadd.s32 @!p0 s3, s7;
	s7 =	simm.s32 @!p0 $0x108  }
0x21: {  	s3 =	sadd.s32 s3, s9;
	s6 =	sadd.s32 @!p0 $0x88, s6;
	s7 =	simm.s32 @p2 $0x1082  }
0x22: {  	[simem:s7], [sflag:s8] =	dma.local @!p0 [hbm:s6], $0xF7A  }
0x23: {  	s9 =	sor.u32 $0xD0000000, s2;
	s6 =	simm.s32 $0x108;
	_ =	swait.ge @!p0 [sflag:s8], $0x0  }
0x24: {  	s3 =	sadd.s32 $0x88, s3;
	s6 =	simm.s32 @!p1 $0x1082;
	[sflag:s4] =	ssyncset.s32 $0xFFFFF086  }
0x25: {  	[simem:s6], [sflag:s4] =	dma.local [hbm:s3], $0xF7A  }
0x26: {  	[smem:$0x3F9D] =	sst s1;
	(tag) =	ssettag s2;
	_ =	strace s9  }
0x27: {  	s1 =	sld [smem:$0x3FAD]  }
0x28: {  	s2 =	sld [smem:$0x3FAE]  }
0x29: {  	s4 =	sld [smem:$0x3FB0]  }
0x2a: {  	p0 =	seq.s32 s5, $0x0;
	s5 =	sld [smem:$0x3FB1]  }
0x2b: {  	s6 =	sld [smem:$0x3FB2]  }
0x2c: {  	s7 =	sld [smem:$0x3FB3]  }
0x2d: {  	s3 =	simm.s32 $0x108;
	s8 =	sld [smem:$0x3FB4]  }
0x2e: {  	s3 =	simm.s32 @!p0 $0x1082;
	s9 =	sld [smem:$0x3FB5]  }
0x2f: {  	lr =	sadd.s32 s0, s3;
	s0 =	sld [smem:$0x3FAC]  }
0x30: {  	s3 =	sld [smem:$0x3FAF]  }
0x31: {  	[smem:$0x3FB8] =	sst s10  }
0x32: {  	s10 =	sld [smem:$0x3FB6];
	_ =	sdelay $0x3  }
0x33: {  	p0 =	seq.s32 s10, $0x1;
	s10 =	sld [smem:$0x3FB8];
	_ =	sdelay $0x3  }
0x34: {  	[smem:$0x3FB8] =	sst s10  }
0x35: {  	s10 =	sld [smem:$0x3FB7];
	_ =	sdelay $0x3  }
0x36: {  	p1 =	seq.s32 s10, $0x1;
	s10 =	sld [smem:$0x3FB8];
	_ =	sdelay $0x3  }
0x37: {  	[smem:$0x3FB8] =	sst s10  }
0x38: {  	s10 =	sld [smem:$0x3FB9]  }
0x39: {  	_ = 	snop;
	(pc) =	sbr.ind lr, $3  }
0x3a: {  	_ = 	snop  }
0x3b: {  	_ = 	snop  }
0x3c: {  	p2 =	seq.s32 s10, $0x1;
	s10 =	sld [smem:$0x3FB8]  }
0x3d: {  	_ =	shalt  }
0x3e: {  	_ =	shalt  }
0x3f: {  	_ =	shalt  }
0x40: {  	_ =	shalt  }
0x41: {  	_ =	shalt  }
0x42: {  	_ =	shalt  }
0x43: {  	_ =	shalt  }
0x44: {  	_ =	shalt  }
0x45: {  	_ =	shalt  }
0x46: {  	_ =	shalt  }
0x47: {  	_ =	shalt  }
0x48: {  	_ =	shalt  }
0x49: {  	_ =	shalt  }
0x4a: {  	_ =	shalt  }
0x4b: {  	_ =	shalt  }
0x4c: {  	_ =	shalt  }
0x4d: {  	_ =	shalt  }
0x4e: {  	_ =	shalt  }
0x4f: {  	_ =	shalt  }
0x50: {  	_ =	shalt  }
0x51: {  	_ =	shalt  }
0x52: {  	_ =	shalt  }
0x53: {  	_ =	shalt  }
0x54: {  	_ =	shalt  }
0x55: {  	_ =	shalt  }
0x56: {  	_ =	shalt  }
0x57: {  	_ =	shalt  }
0x58: {  	_ =	shalt  }
0x59: {  	_ =	shalt  }
0x5a: {  	_ =	shalt  }
0x5b: {  	_ =	shalt  }
0x5c: {  	_ =	shalt  }
0x5d: {  	_ =	shalt  }
0x5e: {  	_ =	shalt  }
0x5f: {  	_ =	shalt  }
0x60: {  	_ =	shalt  }
0x61: {  	_ =	shalt  }
0x62: {  	_ =	shalt  }
0x63: {  	_ =	shalt  }
0x64: {  	_ =	shalt  }
0x65: {  	_ =	shalt  }
0x66: {  	_ =	shalt  }
0x67: {  	_ =	shalt  }
0x68: {  	_ =	shalt  }
0x69: {  	_ =	shalt  }
0x6a: {  	_ =	shalt  }
0x6b: {  	_ =	shalt  }
0x6c: {  	_ =	shalt  }
0x6d: {  	_ =	shalt  }
0x6e: {  	_ =	shalt  }
0x6f: {  	_ =	shalt  }
0x70: {  	_ =	shalt  }
0x71: {  	_ =	shalt  }
0x72: {  	_ =	shalt  }
0x73: {  	_ =	shalt  }
0x74: {  	_ =	shalt  }
0x75: {  	_ =	shalt  }
0x76: {  	_ =	shalt  }
0x77: {  	_ =	shalt  }
0x78: {  	_ =	shalt  }
0x79: {  	_ =	shalt  }
0x7a: {  	_ =	shalt  }
0x7b: {  	_ =	shalt  }
0x7c: {  	_ =	shalt  }
0x7d: {  	_ =	shalt  }
0x7e: {  	_ =	shalt  }
0x7f: {  	_ =	shalt  }
0x80: {  	_ =	shalt  }
0x81: {  	_ =	shalt  }
0x82: {  	_ =	shalt  }
0x83: {  	_ =	shalt  }
0x84: {  	_ =	shalt  }
0x85: {  	_ =	shalt  }
0x86: {  	_ =	shalt  }
0x87: {  	_ =	shalt  }
.Lfunc_end0:
.L_simem_size_0:
called_computation_lowered:
.L_overlay_start_0:
0x88: {  	s2 =	sld [smem:$0x3FD9]  }
0x89: {  	s3 =	sld [smem:$0x3FFE];
	_ =	sdelay $0x1  }
0x8a: {  	s1 =	srdreg.scid  }
0x8b: {  	s0 =	sand.u32 $0x1, s1  }
0x8c: {  	s17 =	sshll.u32 s0, $0xA;
	s2 =	sadd.s32 s3, s2  }
0x8d: {  	s2 =	sadd.s32 s2, s17  }
0x8e: {  	[smem:$0x3FC4] =	sst s2  }
0x8f: {  	_ = 	snop  }
0x90: {  	s2 =	sld [smem:$0x3FC9]  }
0x91: {  	s18 =	sld [smem:$0x3FC8]  }
0x92: {  	s4 =	sld [smem:$0x3FD0];
	(tm) =	ssettm $0x1  }
0x93: {  	s5 =	sld [smem:$0x3FFB];
	_ =	sdelay $0x3  }
0x94: {  	_ =	strace s5  }
0x95: {  	s5 =	sld [smem:$0x3FFC];
	_ =	sdelay $0x3  }
0x96: {  	_ =	strace s5  }
0x97: {  	s5 =	sld [smem:$0x3FFD];
	_ =	sdelay $0x3  }
0x98: {  	_ =	strace s5  }
0x99: {  	_ =	strace $0x8FFFFFFF  }
0x9a: {  	s19 =	sld [smem:$0x3FDB];
	_ =	sdelay $0x1  }
0x9b: {  	s6 =	simm.s32 $_scs_section_size  }
0x9c: {  	s7 =	simm.s32 $_size__tile_overlayer_lowered;
	s8 =	simm.s32 $_tile_overlayer_lowered  }
0x9d: {  	s22 =	simm.s32 $0x1BFF;
	s21 =	sshll.u32 s8, $0x1;
	s5 =	sadd.s32 s6, s19  }
0x9e: {  	s9 =	simm.s32 $0x0;
	s20 =	sshll.u32 s7, $0x1;
	s7 =	sadd.s32 s21, s5  }
0x9f: {  	[timem:s9], [sflag:s22] =	dma.local [hbm:s7], s20  }
0xa0: {  	_ =	swait.ge [sflag:s22], s20  }
0xa1: {  	s6 =	ssub.s32 $0x0, s20;
	[sflag:s22] =	ssyncset.done $0x0  }
0xa2: {  	[sflag:s22] =	ssyncadd.s32 s6;
	_ =	sdelay $0x1  }
0xa3: {  	s23 =	simm.s32 $0x1B8B  }
0xa4: {  	_ =	swait.ge [sflag:s23], $0x1  }
0xa5: {  	[sflag:s23] =	ssyncset.done $0x0  }
0xa6: {  	s25 =	simm.s32 $0x1B8E;
	s24 =	sld [smem:$0x3FFE];
	[sflag:s23] =	ssyncadd.s32 $0xFFFFFFFF  }
0xa7: {  	s26 =	simm.s32 $execute0_lowered;
	[smem:$0x3FD2] =	sst s25  }
0xa8: {  	s7 =	sshll.u32 s26, $0x1;
	_ =	strace $0x80000046;
	[dreg:$0x1] =	wrdreg $0xFFFFFFFF  }
0xa9: {  	s28 =	simm.s32 $_size_execute0_lowered;
	s5 =	sadd.s32 s5, s7;
	[dreg:$0x0] =	wrdreg $0x0  }
0xaa: {  	s7 =	sshll.u32 s28, $0x1;
	[dreg:$0x2] =	wrdreg s5  }
0xab: {  	[dreg:$0x3] =	wrdreg s7  }
0xac: {  	[dreg:$0x4] =	wrdreg $0xC0  }
0xad: {  	_ =	task [dreg:s9], $0x5FFFF  }
0xae: {  	[dreg:$0x1] =	wrdreg $0xFFFFFFFF  }
0xaf: {  	[dreg:$0x0] =	wrdreg $0x60  }
0xb0: {  	[dreg:$0x2] =	wrdreg s2  }
0xb1: {  	[dreg:$0x3] =	wrdreg s18  }
0xb2: {  	[dreg:$0x4] =	wrdreg s24  }
0xb3: {  	[dreg:$0x5] =	wrdreg s4  }
0xb4: {  	[dreg:$0x6] =	wrdreg $0x9  }
0xb5: {  	_ =	task.clear_ibuf [dreg:s9], $0x7FFFF;
	_ =	strace $0x90000046  }
0xb6: {  	s29 =	simm.s32 $0x9;
	_ =	strace $0x80000048  }
0xb7: {  	_ =	swait.ge [sflag:s29], $0x1  }
0xb8: {  	[sflag:s29] =	ssyncadd.s32 $0xFFFFFFFF  }
0xb9: {  	_ =	strace $0x90000048  }
0xba: {  	_ =	sfence  }
0xbb: {  	s30 =	sld [smem:$0x0];
	_ =	sdelay $0x2  }
0xbc: {  	s31 =	sshll.u32 s1, $0xD;
	s1 =	sshrl.u32 s1, $0x2  }
0xbd: {  	s3 =	sand.u32 $0x4000, s31;
	s1 =	sadd.s32 s1, s30  }
0xbe: {  	s0 =	sor.u32 s3, s0;
	s1 =	sshll.u32 s1, $0x11  }
0xbf: {  	s0 =	sor.u32 s1, s0  }
0xc0: {  	s0 =	sadd.s32 $0x8F2B, s0  }
0xc1: {  	[sflag:s0] =	ssyncadd.remote.s32 $0x1  }
0xc2: {  	_ =	sfence.sel $0xFFFF  }
0xc3: {  	[dreg:$0x0] =	wrdreg $0xFFFFFFFF;
	(pc) =	sbr.abs _section_cstart, $3  }
0xc4: {  	[dreg:$0x1] =	wrdreg $0xFFFFFFFF  }
0xc5: {  	_ =	task.clear_ibuf [dreg:s9], $0x2FFFF;
	_ =	strace $0x9FFFFFFF  }
0xc6: {  	(tm) =	ssettm $0x7FFFFFFF  }
0xc7: {  	_ =	shalt  }
tec
execute0_lowered:
.L_overlay_start_1:
0x0: {  	(tag) =	ssettag $0x1  }
0x1: {  	s0 =	rddreg [dreg:$0x0]  }
0x2: {  	s2 =	rddreg [dreg:$0x1]  }
0x3: {  	s4 =	rddreg [dreg:$0x2]  }
0x4: {  	s7 =	rddreg [dreg:$0x3];
	s1 =	simm.s32 $0x0;
	s5 =	srdreg.scid  }
0x5: {  	s8 =	stileid.u32;
	s12 =	simm.s32 $0x200;
	s13 =	simm.s32 $0x1  }
0x6: {  	s14 =	simm.s32 $0x80;
	s15 =	simm.s32 $0x400;
	s16 =	simm.s32 $0x2400  }
0x7: {  	s18 =	simm.s32 $0x4400;
	s20 =	simm.s32 $0x6400;
	s21 =	simm.s32 $0x2  }
0x8: {  	s25 =	simm.s32 $0x300;
	s28 =	simm.s32 $0x380;
	s29 =	simm.s32 $0xE400  }
0x9: {  	s30 =	simm.s32 $0x3;
	s31 =	simm.s32 $0x4;
	s17 =	simm.s32 $0x7  }
0xa: {  	s19 =	simm.s32 $0x0;
	[smem:$0x7FF] =	sst s1;
	s5 =	sand.u32 $0x1, s5  }
0xb: {  	s8 =	sshll.u32 s8, $0xA;
	s6 =	ssub.s32 $0x2, s5;
	s5 =	sshll.u32 s5, $0x9  }
0xc: {  	s3 =	sadd.s32 $0x2400, s4;
	s4 =	sadd.s32 $0x400, s4;
	s5 =	sor.u32 s5, s8  }
0xd: {  	_ =	strace $0x80000047;
	s9 =	sshrl.u32 s6, $0x1;
	s26 =	sshrl.u32 s5, $0x3  }
0xe: {  	s11 =	ssub.s32 s6, s9;
	s8 =	sshll.u32 s5, $0x3;
	s5 =	sadd.s32 s0, s26  }
0xf: {  	s6 =	sadd.s32 s2, s26;
	s7 =	sadd.s32 s7, s8;
	s11 =	smax.u32 s11, $0x1  }
0x10: {  	s26 =	simm.s32 $0xC400;
	s0 =	simm.s32 $0x5;
	s2 =	simm.s32 $0x6  }
0x11: {  	s8 =	sadd.s32 $0x400, s7;
	s9 =	sadd.s32 $0x800, s7;
	s10 =	sadd.s32 $0xC00, s7  }
.LBB2_1:
0x12: {  	[tilespmem:s1], [sflag:$0x1] =	stream.linear.gather [hbm4b:s5+s1], $0x200, $0x38;
	[tilespmem:$0x10400] =	vst v63  }
0x13: {  	_ = 	snop  }
0x14: {  	[tilespmem:s12], [sflag:$0x2] =	stream.linear.gather [hbm4b:s6+s1], $0x200, $0x38;
	[tilespmem:$0x10400] =	vst v63  }
0x15: {  	_ =	swait.ge [sflag:s13], $0x200  }
0x16: {  	[sflag:s13] =	ssyncset.done $0x0  }
0x17: {  	[sflag:s13] =	ssyncadd.s32 $0xFFFFFE00  }
0x18: {  	[tilespmem:s15], [sflag:$0x3] =	stream.indirect.gather [hbm4b:s3+s14], $0x40, s1, s14, $0xb8;
	[tilespmem:$0x10400] =	vst v63  }
0x19: {  	_ = 	snop  }
0x1a: {  	[tilespmem:s16], [sflag:$0x4] =	stream.indirect.gather [hbm4b:s3+s14], $0x40, s14, s14, $0xb8;
	[tilespmem:$0x10400] =	vst v63  }
0x1b: {  	s22 =	simm.s32 $0x100  }
0x1c: {  	[tilespmem:s18], [sflag:$0x5] =	stream.indirect.gather [hbm4b:s3+s14], $0x40, s22, s14, $0xb8;
	[tilespmem:$0x10400] =	vst v63  }
0x1d: {  	s24 =	simm.s32 $0x180  }
0x1e: {  	[tilespmem:s20], [sflag:$0x6] =	stream.indirect.gather [hbm4b:s3+s14], $0x40, s24, s14, $0xb8;
	[tilespmem:$0x10400] =	vst v63  }
0x1f: {  	_ =	swait.ge [sflag:s21], $0x200  }
0x20: {  	[sflag:s21] =	ssyncset.done $0x0  }
0x21: {  	s23 =	simm.s32 $0x8400;
	[sflag:s21] =	ssyncadd.s32 $0xFFFFFE00  }
0x22: {  	[tilespmem:s23], [sflag:$0x3] =	stream.indirect.gather [hbm4b:s4+s14], $0x40, s12, s14, $0xb8;
	[tilespmem:$0x10400] =	vst v63  }
0x23: {  	s24 =	simm.s32 $0x280;
	s23 =	simm.s32 $0xA400  }
0x24: {  	[tilespmem:s23], [sflag:$0x4] =	stream.indirect.gather [hbm4b:s4+s14], $0x40, s24, s14, $0xb8;
	[tilespmem:$0x10400] =	vst v63  }
0x25: {  	_ = 	snop  }
0x26: {  	[tilespmem:s26], [sflag:$0x5] =	stream.indirect.gather [hbm4b:s4+s14], $0x40, s25, s14, $0xb8;
	[tilespmem:$0x10400] =	vst v63  }
0x27: {  	_ = 	snop  }
0x28: {  	[tilespmem:s29], [sflag:$0x6] =	stream.indirect.gather [hbm4b:s4+s14], $0x40, s28, s14, $0xb8;
	[tilespmem:$0x10400] =	vst v63  }
0x29: {  	_ =	swait.ge [sflag:s30], $0x2000  }
0x2a: {  	[sflag:s30] =	ssyncset.done $0x0  }
0x2b: {  	[sflag:s30] =	ssyncadd.s32 $0xFFFFE000  }
0x2c: {  	_ =	swait.ge [sflag:s30], $0x2000  }
0x2d: {  	[sflag:s30] =	ssyncset.done $0x0  }
0x2e: {  	s22 =	simm.s32 $0x0;
	[sflag:s30] =	ssyncadd.s32 $0xFFFFE000  }
0x2f: {  	v0 =	vld [tilespmem:s22+$0x84F0]  }
0x30: {  	v1 =	vld [tilespmem:s22+$0x8400]  }
0x31: {  	v2 =	vld [tilespmem:s22+$0x8410]  }
0x32: {  	v3 =	vld [tilespmem:s22+$0x8420]  }
0x33: {  	v4 =	vld [tilespmem:s22+$0x8430]  }
0x34: {  	v5 =	vld [tilespmem:s22+$0x8440]  }
0x35: {  	v6 =	vld [tilespmem:s22+$0x8450]  }
0x36: {  	v7 =	vld [tilespmem:s22+$0x8460]  }
0x37: {  	v8 =	vld [tilespmem:s22+$0x8470]  }
0x38: {  	v9 =	vld [tilespmem:s22+$0x8480]  }
0x39: {  	v10 =	vld [tilespmem:s22+$0x8490]  }
0x3a: {  	v11 =	vld [tilespmem:s22+$0x84A0]  }
0x3b: {  	v12 =	vld [tilespmem:s22+$0x84B0]  }
0x3c: {  	v13 =	vld [tilespmem:s22+$0x84C0]  }
0x3d: {  	v14 =	vld [tilespmem:s22+$0x84D0]  }
0x3e: {  	[tilespmem:s22+$0x4F0] =	vst.add.f32.msk $0xffff, v0  }
0x3f: {  	v0 =	vld [tilespmem:s22+$0x84E0]  }
0x40: {  	[tilespmem:s22+$0x400] =	vst.add.f32.msk $0xffff, v1  }
0x41: {  	[tilespmem:s22+$0x410] =	vst.add.f32.msk $0xffff, v2  }
0x42: {  	[tilespmem:s22+$0x420] =	vst.add.f32.msk $0xffff, v3  }
0x43: {  	[tilespmem:s22+$0x430] =	vst.add.f32.msk $0xffff, v4  }
0x44: {  	[tilespmem:s22+$0x440] =	vst.add.f32.msk $0xffff, v5  }
0x45: {  	[tilespmem:s22+$0x450] =	vst.add.f32.msk $0xffff, v6  }
0x46: {  	[tilespmem:s22+$0x460] =	vst.add.f32.msk $0xffff, v7  }
0x47: {  	[tilespmem:s22+$0x470] =	vst.add.f32.msk $0xffff, v8  }
0x48: {  	[tilespmem:s22+$0x480] =	vst.add.f32.msk $0xffff, v9  }
0x49: {  	[tilespmem:s22+$0x490] =	vst.add.f32.msk $0xffff, v10  }
0x4a: {  	[tilespmem:s22+$0x4A0] =	vst.add.f32.msk $0xffff, v11  }
0x4b: {  	[tilespmem:s22+$0x4B0] =	vst.add.f32.msk $0xffff, v12  }
0x4c: {  	[tilespmem:s22+$0x4C0] =	vst.add.f32.msk $0xffff, v13  }
0x4d: {  	s23 =	simm.s32 $0x0;
	s24 =	simm.s32 $0x400;
	[tilespmem:s22+$0x4D0] =	vst.add.f32.msk $0xffff, v14  }
.LBB2_2:
0x4e: {  	s23 =	sadd.s32 $0x4, s23;
	[tilespmem:s22+$0x4E0] =	vst.add.f32.msk $0xffff, v0;
	s22 =	sshra.s32 s24, $0x2  }
0x4f: {  	v0 =	vld [tilespmem:s22+$0x84F0];
	p0 =	slt.u32 s23, $0x7C  }
0x50: {  	v1 =	vld [tilespmem:s22+$0x8400]  }
0x51: {  	v2 =	vld [tilespmem:s22+$0x8410]  }
0x52: {  	v3 =	vld [tilespmem:s22+$0x8420]  }
0x53: {  	v4 =	vld [tilespmem:s22+$0x8430]  }
0x54: {  	[tilespmem:s22+$0x4F0] =	vst.add.f32.msk $0xffff, v0  }
0x55: {  	v5 =	vld [tilespmem:s22+$0x8440]  }
0x56: {  	v6 =	vld [tilespmem:s22+$0x8450]  }
0x57: {  	v7 =	vld [tilespmem:s22+$0x8460]  }
0x58: {  	v8 =	vld [tilespmem:s22+$0x8470]  }
0x59: {  	v9 =	vld [tilespmem:s22+$0x8480]  }
0x5a: {  	v10 =	vld [tilespmem:s22+$0x8490]  }
0x5b: {  	v11 =	vld [tilespmem:s22+$0x84A0]  }
0x5c: {  	v12 =	vld [tilespmem:s22+$0x84B0]  }
0x5d: {  	v13 =	vld [tilespmem:s22+$0x84C0]  }
0x5e: {  	v14 =	vld [tilespmem:s22+$0x84D0]  }
0x5f: {  	v0 =	vld [tilespmem:s22+$0x84E0]  }
0x60: {  	[tilespmem:s22+$0x400] =	vst.add.f32.msk $0xffff, v1  }
0x61: {  	[tilespmem:s22+$0x410] =	vst.add.f32.msk $0xffff, v2  }
0x62: {  	[tilespmem:s22+$0x420] =	vst.add.f32.msk $0xffff, v3  }
0x63: {  	[tilespmem:s22+$0x430] =	vst.add.f32.msk $0xffff, v4  }
0x64: {  	[tilespmem:s22+$0x440] =	vst.add.f32.msk $0xffff, v5  }
0x65: {  	[tilespmem:s22+$0x450] =	vst.add.f32.msk $0xffff, v6  }
0x66: {  	[tilespmem:s22+$0x460] =	vst.add.f32.msk $0xffff, v7  }
0x67: {  	[tilespmem:s22+$0x470] =	vst.add.f32.msk $0xffff, v8  }
0x68: {  	[tilespmem:s22+$0x480] =	vst.add.f32.msk $0xffff, v9  }
.Ltmp0:
0x69: {  	[tilespmem:s22+$0x490] =	vst.add.f32.msk $0xffff, v10;
	(pc) =	sbr.rel @p0 .LBB2_2-.Ltmp0, $4  }
0x6a: {  	[tilespmem:s22+$0x4A0] =	vst.add.f32.msk $0xffff, v11  }
0x6b: {  	[tilespmem:s22+$0x4B0] =	vst.add.f32.msk $0xffff, v12  }
0x6c: {  	[tilespmem:s22+$0x4C0] =	vst.add.f32.msk $0xffff, v13  }
0x6d: {  	s24 =	sadd.s32 $0x400, s24;
	[tilespmem:s22+$0x4D0] =	vst.add.f32.msk $0xffff, v14  }
0x6e: {  	[tilespmem:s22+$0x4E0] =	vst.add.f32.msk $0xffff, v0;
	s24 =	simm.s32 $0x0  }
0x6f: {  	[hbm4b:s7+s24] =	stream.linear.scatter [tilespmem:s15], [sflag:$0x7], $0x2000, $0x38;
	[tilespmem:$0x10400] =	vst v63  }
0x70: {  	_ =	swait.ge [sflag:s31], $0x2000  }
0x71: {  	[sflag:s31] =	ssyncset.done $0x0  }
0x72: {  	[sflag:s31] =	ssyncadd.s32 $0xFFFFE000  }
0x73: {  	_ =	swait.ge [sflag:s31], $0x2000  }
0x74: {  	[sflag:s31] =	ssyncset.done $0x0  }
0x75: {  	s22 =	simm.s32 $0x0;
	[sflag:s31] =	ssyncadd.s32 $0xFFFFE000  }
0x76: {  	v0 =	vld [tilespmem:s22+$0xA4F0]  }
0x77: {  	v1 =	vld [tilespmem:s22+$0xA400]  }
0x78: {  	v2 =	vld [tilespmem:s22+$0xA410]  }
0x79: {  	v3 =	vld [tilespmem:s22+$0xA420]  }
0x7a: {  	v4 =	vld [tilespmem:s22+$0xA430]  }
0x7b: {  	v5 =	vld [tilespmem:s22+$0xA440]  }
0x7c: {  	v6 =	vld [tilespmem:s22+$0xA450]  }
0x7d: {  	v7 =	vld [tilespmem:s22+$0xA460]  }
0x7e: {  	v8 =	vld [tilespmem:s22+$0xA470]  }
0x7f: {  	v9 =	vld [tilespmem:s22+$0xA480]  }
0x80: {  	v10 =	vld [tilespmem:s22+$0xA490]  }
0x81: {  	v11 =	vld [tilespmem:s22+$0xA4A0]  }
0x82: {  	v12 =	vld [tilespmem:s22+$0xA4B0]  }
0x83: {  	v13 =	vld [tilespmem:s22+$0xA4C0]  }
0x84: {  	v14 =	vld [tilespmem:s22+$0xA4D0]  }
0x85: {  	[tilespmem:s22+$0x24F0] =	vst.add.f32.msk $0xffff, v0  }
0x86: {  	v0 =	vld [tilespmem:s22+$0xA4E0]  }
0x87: {  	[tilespmem:s22+$0x2400] =	vst.add.f32.msk $0xffff, v1  }
0x88: {  	[tilespmem:s22+$0x2410] =	vst.add.f32.msk $0xffff, v2  }
0x89: {  	[tilespmem:s22+$0x2420] =	vst.add.f32.msk $0xffff, v3  }
0x8a: {  	[tilespmem:s22+$0x2430] =	vst.add.f32.msk $0xffff, v4  }
0x8b: {  	[tilespmem:s22+$0x2440] =	vst.add.f32.msk $0xffff, v5  }
0x8c: {  	[tilespmem:s22+$0x2450] =	vst.add.f32.msk $0xffff, v6  }
0x8d: {  	[tilespmem:s22+$0x2460] =	vst.add.f32.msk $0xffff, v7  }
0x8e: {  	[tilespmem:s22+$0x2470] =	vst.add.f32.msk $0xffff, v8  }
0x8f: {  	[tilespmem:s22+$0x2480] =	vst.add.f32.msk $0xffff, v9  }
0x90: {  	[tilespmem:s22+$0x2490] =	vst.add.f32.msk $0xffff, v10  }
0x91: {  	[tilespmem:s22+$0x24A0] =	vst.add.f32.msk $0xffff, v11  }
0x92: {  	[tilespmem:s22+$0x24B0] =	vst.add.f32.msk $0xffff, v12  }
0x93: {  	[tilespmem:s22+$0x24C0] =	vst.add.f32.msk $0xffff, v13  }
0x94: {  	s23 =	simm.s32 $0x0;
	s24 =	simm.s32 $0x400;
	[tilespmem:s22+$0x24D0] =	vst.add.f32.msk $0xffff, v14  }
.LBB2_4:
0x95: {  	s23 =	sadd.s32 $0x4, s23;
	[tilespmem:s22+$0x24E0] =	vst.add.f32.msk $0xffff, v0;
	s22 =	sshra.s32 s24, $0x2  }
0x96: {  	v0 =	vld [tilespmem:s22+$0xA4F0];
	p0 =	slt.u32 s23, $0x7C  }
0x97: {  	v1 =	vld [tilespmem:s22+$0xA400]  }
0x98: {  	v2 =	vld [tilespmem:s22+$0xA410]  }
0x99: {  	v3 =	vld [tilespmem:s22+$0xA420]  }
0x9a: {  	v4 =	vld [tilespmem:s22+$0xA430]  }
0x9b: {  	[tilespmem:s22+$0x24F0] =	vst.add.f32.msk $0xffff, v0  }
0x9c: {  	v5 =	vld [tilespmem:s22+$0xA440]  }
0x9d: {  	v6 =	vld [tilespmem:s22+$0xA450]  }
0x9e: {  	v7 =	vld [tilespmem:s22+$0xA460]  }
0x9f: {  	v8 =	vld [tilespmem:s22+$0xA470]  }
0xa0: {  	v9 =	vld [tilespmem:s22+$0xA480]  }
0xa1: {  	v10 =	vld [tilespmem:s22+$0xA490]  }
0xa2: {  	v11 =	vld [tilespmem:s22+$0xA4A0]  }
0xa3: {  	v12 =	vld [tilespmem:s22+$0xA4B0]  }
0xa4: {  	v13 =	vld [tilespmem:s22+$0xA4C0]  }
0xa5: {  	v14 =	vld [tilespmem:s22+$0xA4D0]  }
0xa6: {  	v0 =	vld [tilespmem:s22+$0xA4E0]  }
0xa7: {  	[tilespmem:s22+$0x2400] =	vst.add.f32.msk $0xffff, v1  }
0xa8: {  	[tilespmem:s22+$0x2410] =	vst.add.f32.msk $0xffff, v2  }
0xa9: {  	[tilespmem:s22+$0x2420] =	vst.add.f32.msk $0xffff, v3  }
0xaa: {  	[tilespmem:s22+$0x2430] =	vst.add.f32.msk $0xffff, v4  }
0xab: {  	[tilespmem:s22+$0x2440] =	vst.add.f32.msk $0xffff, v5  }
0xac: {  	[tilespmem:s22+$0x2450] =	vst.add.f32.msk $0xffff, v6  }
0xad: {  	[tilespmem:s22+$0x2460] =	vst.add.f32.msk $0xffff, v7  }
0xae: {  	[tilespmem:s22+$0x2470] =	vst.add.f32.msk $0xffff, v8  }
0xaf: {  	[tilespmem:s22+$0x2480] =	vst.add.f32.msk $0xffff, v9  }
.Ltmp1:
0xb0: {  	[tilespmem:s22+$0x2490] =	vst.add.f32.msk $0xffff, v10;
	(pc) =	sbr.rel @p0 .LBB2_4-.Ltmp1, $4  }
0xb1: {  	[tilespmem:s22+$0x24A0] =	vst.add.f32.msk $0xffff, v11  }
0xb2: {  	[tilespmem:s22+$0x24B0] =	vst.add.f32.msk $0xffff, v12  }
0xb3: {  	[tilespmem:s22+$0x24C0] =	vst.add.f32.msk $0xffff, v13  }
0xb4: {  	s24 =	sadd.s32 $0x400, s24;
	[tilespmem:s22+$0x24D0] =	vst.add.f32.msk $0xffff, v14  }
0xb5: {  	[tilespmem:s22+$0x24E0] =	vst.add.f32.msk $0xffff, v0;
	s24 =	simm.s32 $0x0  }
0xb6: {  	[hbm4b:s8+s24] =	stream.linear.scatter [tilespmem:s16], [sflag:$0x7], $0x2000, $0x38;
	[tilespmem:$0x10400] =	vst v63  }
0xb7: {  	_ =	swait.ge [sflag:s0], $0x2000  }
0xb8: {  	[sflag:s0] =	ssyncset.done $0x0  }
0xb9: {  	[sflag:s0] =	ssyncadd.s32 $0xFFFFE000  }
0xba: {  	_ =	swait.ge [sflag:s0], $0x2000  }
0xbb: {  	[sflag:s0] =	ssyncset.done $0x0  }
0xbc: {  	s22 =	simm.s32 $0x0;
	[sflag:s0] =	ssyncadd.s32 $0xFFFFE000  }
0xbd: {  	v0 =	vld [tilespmem:s22+$0xC4F0]  }
0xbe: {  	v1 =	vld [tilespmem:s22+$0xC400]  }
0xbf: {  	v2 =	vld [tilespmem:s22+$0xC410]  }
0xc0: {  	v3 =	vld [tilespmem:s22+$0xC420]  }
0xc1: {  	v4 =	vld [tilespmem:s22+$0xC430]  }
0xc2: {  	v5 =	vld [tilespmem:s22+$0xC440]  }
0xc3: {  	v6 =	vld [tilespmem:s22+$0xC450]  }
0xc4: {  	v7 =	vld [tilespmem:s22+$0xC460]  }
0xc5: {  	v8 =	vld [tilespmem:s22+$0xC470]  }
0xc6: {  	v9 =	vld [tilespmem:s22+$0xC480]  }
0xc7: {  	v10 =	vld [tilespmem:s22+$0xC490]  }
0xc8: {  	v11 =	vld [tilespmem:s22+$0xC4A0]  }
0xc9: {  	v12 =	vld [tilespmem:s22+$0xC4B0]  }
0xca: {  	v13 =	vld [tilespmem:s22+$0xC4C0]  }
0xcb: {  	v14 =	vld [tilespmem:s22+$0xC4D0]  }
0xcc: {  	[tilespmem:s22+$0x44F0] =	vst.add.f32.msk $0xffff, v0  }
0xcd: {  	v0 =	vld [tilespmem:s22+$0xC4E0]  }
0xce: {  	[tilespmem:s22+$0x4400] =	vst.add.f32.msk $0xffff, v1  }
0xcf: {  	[tilespmem:s22+$0x4410] =	vst.add.f32.msk $0xffff, v2  }
0xd0: {  	[tilespmem:s22+$0x4420] =	vst.add.f32.msk $0xffff, v3  }
0xd1: {  	[tilespmem:s22+$0x4430] =	vst.add.f32.msk $0xffff, v4  }
0xd2: {  	[tilespmem:s22+$0x4440] =	vst.add.f32.msk $0xffff, v5  }
0xd3: {  	[tilespmem:s22+$0x4450] =	vst.add.f32.msk $0xffff, v6  }
0xd4: {  	[tilespmem:s22+$0x4460] =	vst.add.f32.msk $0xffff, v7  }
0xd5: {  	[tilespmem:s22+$0x4470] =	vst.add.f32.msk $0xffff, v8  }
0xd6: {  	[tilespmem:s22+$0x4480] =	vst.add.f32.msk $0xffff, v9  }
0xd7: {  	[tilespmem:s22+$0x4490] =	vst.add.f32.msk $0xffff, v10  }
0xd8: {  	[tilespmem:s22+$0x44A0] =	vst.add.f32.msk $0xffff, v11  }
0xd9: {  	[tilespmem:s22+$0x44B0] =	vst.add.f32.msk $0xffff, v12  }
0xda: {  	[tilespmem:s22+$0x44C0] =	vst.add.f32.msk $0xffff, v13  }
0xdb: {  	s23 =	simm.s32 $0x0;
	s24 =	simm.s32 $0x400;
	[tilespmem:s22+$0x44D0] =	vst.add.f32.msk $0xffff, v14  }
.LBB2_6:
0xdc: {  	s23 =	sadd.s32 $0x4, s23;
	[tilespmem:s22+$0x44E0] =	vst.add.f32.msk $0xffff, v0;
	s22 =	sshra.s32 s24, $0x2  }
0xdd: {  	v0 =	vld [tilespmem:s22+$0xC4F0];
	p0 =	slt.u32 s23, $0x7C  }
0xde: {  	v1 =	vld [tilespmem:s22+$0xC400]  }
0xdf: {  	v2 =	vld [tilespmem:s22+$0xC410]  }
0xe0: {  	v3 =	vld [tilespmem:s22+$0xC420]  }
0xe1: {  	v4 =	vld [tilespmem:s22+$0xC430]  }
0xe2: {  	[tilespmem:s22+$0x44F0] =	vst.add.f32.msk $0xffff, v0  }
0xe3: {  	v5 =	vld [tilespmem:s22+$0xC440]  }
0xe4: {  	v6 =	vld [tilespmem:s22+$0xC450]  }
0xe5: {  	v7 =	vld [tilespmem:s22+$0xC460]  }
0xe6: {  	v8 =	vld [tilespmem:s22+$0xC470]  }
0xe7: {  	v9 =	vld [tilespmem:s22+$0xC480]  }
0xe8: {  	v10 =	vld [tilespmem:s22+$0xC490]  }
0xe9: {  	v11 =	vld [tilespmem:s22+$0xC4A0]  }
0xea: {  	v12 =	vld [tilespmem:s22+$0xC4B0]  }
0xeb: {  	v13 =	vld [tilespmem:s22+$0xC4C0]  }
0xec: {  	v14 =	vld [tilespmem:s22+$0xC4D0]  }
0xed: {  	v0 =	vld [tilespmem:s22+$0xC4E0]  }
0xee: {  	[tilespmem:s22+$0x4400] =	vst.add.f32.msk $0xffff, v1  }
0xef: {  	[tilespmem:s22+$0x4410] =	vst.add.f32.msk $0xffff, v2  }
0xf0: {  	[tilespmem:s22+$0x4420] =	vst.add.f32.msk $0xffff, v3  }
0xf1: {  	[tilespmem:s22+$0x4430] =	vst.add.f32.msk $0xffff, v4  }
0xf2: {  	[tilespmem:s22+$0x4440] =	vst.add.f32.msk $0xffff, v5  }
0xf3: {  	[tilespmem:s22+$0x4450] =	vst.add.f32.msk $0xffff, v6  }
0xf4: {  	[tilespmem:s22+$0x4460] =	vst.add.f32.msk $0xffff, v7  }
0xf5: {  	[tilespmem:s22+$0x4470] =	vst.add.f32.msk $0xffff, v8  }
0xf6: {  	[tilespmem:s22+$0x4480] =	vst.add.f32.msk $0xffff, v9  }
.Ltmp2:
0xf7: {  	[tilespmem:s22+$0x4490] =	vst.add.f32.msk $0xffff, v10;
	(pc) =	sbr.rel @p0 .LBB2_6-.Ltmp2, $4  }
0xf8: {  	[tilespmem:s22+$0x44A0] =	vst.add.f32.msk $0xffff, v11  }
0xf9: {  	[tilespmem:s22+$0x44B0] =	vst.add.f32.msk $0xffff, v12  }
0xfa: {  	[tilespmem:s22+$0x44C0] =	vst.add.f32.msk $0xffff, v13  }
0xfb: {  	s24 =	sadd.s32 $0x400, s24;
	[tilespmem:s22+$0x44D0] =	vst.add.f32.msk $0xffff, v14  }
0xfc: {  	[tilespmem:s22+$0x44E0] =	vst.add.f32.msk $0xffff, v0;
	s24 =	simm.s32 $0x0  }
0xfd: {  	[hbm4b:s9+s24] =	stream.linear.scatter [tilespmem:s18], [sflag:$0x7], $0x2000, $0x38;
	[tilespmem:$0x10400] =	vst v63  }
0xfe: {  	_ =	swait.ge [sflag:s2], $0x2000  }
0xff: {  	[sflag:s2] =	ssyncset.done $0x0  }
0x100: {  	[sflag:s2] =	ssyncadd.s32 $0xFFFFE000  }
0x101: {  	_ =	swait.ge [sflag:s2], $0x2000  }
0x102: {  	[sflag:s2] =	ssyncset.done $0x0  }
0x103: {  	s22 =	simm.s32 $0x0;
	[sflag:s2] =	ssyncadd.s32 $0xFFFFE000  }
0x104: {  	v0 =	vld [tilespmem:s22+$0xE4F0]  }
0x105: {  	v1 =	vld [tilespmem:s22+$0xE400]  }
0x106: {  	v2 =	vld [tilespmem:s22+$0xE410]  }
0x107: {  	v3 =	vld [tilespmem:s22+$0xE420]  }
0x108: {  	v4 =	vld [tilespmem:s22+$0xE430]  }
0x109: {  	v5 =	vld [tilespmem:s22+$0xE440]  }
0x10a: {  	v6 =	vld [tilespmem:s22+$0xE450]  }
0x10b: {  	v7 =	vld [tilespmem:s22+$0xE460]  }
0x10c: {  	v8 =	vld [tilespmem:s22+$0xE470]  }
0x10d: {  	v9 =	vld [tilespmem:s22+$0xE480]  }
0x10e: {  	v10 =	vld [tilespmem:s22+$0xE490]  }
0x10f: {  	v11 =	vld [tilespmem:s22+$0xE4A0]  }
0x110: {  	v12 =	vld [tilespmem:s22+$0xE4B0]  }
0x111: {  	v13 =	vld [tilespmem:s22+$0xE4C0]  }
0x112: {  	v14 =	vld [tilespmem:s22+$0xE4D0]  }
0x113: {  	[tilespmem:s22+$0x64F0] =	vst.add.f32.msk $0xffff, v0  }
0x114: {  	v0 =	vld [tilespmem:s22+$0xE4E0]  }
0x115: {  	[tilespmem:s22+$0x6400] =	vst.add.f32.msk $0xffff, v1  }
0x116: {  	[tilespmem:s22+$0x6410] =	vst.add.f32.msk $0xffff, v2  }
0x117: {  	[tilespmem:s22+$0x6420] =	vst.add.f32.msk $0xffff, v3  }
0x118: {  	[tilespmem:s22+$0x6430] =	vst.add.f32.msk $0xffff, v4  }
0x119: {  	[tilespmem:s22+$0x6440] =	vst.add.f32.msk $0xffff, v5  }
0x11a: {  	[tilespmem:s22+$0x6450] =	vst.add.f32.msk $0xffff, v6  }
0x11b: {  	[tilespmem:s22+$0x6460] =	vst.add.f32.msk $0xffff, v7  }
0x11c: {  	[tilespmem:s22+$0x6470] =	vst.add.f32.msk $0xffff, v8  }
0x11d: {  	[tilespmem:s22+$0x6480] =	vst.add.f32.msk $0xffff, v9  }
0x11e: {  	[tilespmem:s22+$0x6490] =	vst.add.f32.msk $0xffff, v10  }
0x11f: {  	[tilespmem:s22+$0x64A0] =	vst.add.f32.msk $0xffff, v11  }
0x120: {  	[tilespmem:s22+$0x64B0] =	vst.add.f32.msk $0xffff, v12  }
0x121: {  	[tilespmem:s22+$0x64C0] =	vst.add.f32.msk $0xffff, v13  }
0x122: {  	s23 =	simm.s32 $0x0;
	s24 =	simm.s32 $0x400;
	[tilespmem:s22+$0x64D0] =	vst.add.f32.msk $0xffff, v14  }
.LBB2_8:
0x123: {  	s23 =	sadd.s32 $0x4, s23;
	[tilespmem:s22+$0x64E0] =	vst.add.f32.msk $0xffff, v0;
	s22 =	sshra.s32 s24, $0x2  }
0x124: {  	v0 =	vld [tilespmem:s22+$0xE4F0];
	p0 =	slt.u32 s23, $0x7C  }
0x125: {  	v1 =	vld [tilespmem:s22+$0xE400]  }
0x126: {  	v2 =	vld [tilespmem:s22+$0xE410]  }
0x127: {  	v3 =	vld [tilespmem:s22+$0xE420]  }
0x128: {  	v4 =	vld [tilespmem:s22+$0xE430]  }
0x129: {  	[tilespmem:s22+$0x64F0] =	vst.add.f32.msk $0xffff, v0  }
0x12a: {  	v5 =	vld [tilespmem:s22+$0xE440]  }
0x12b: {  	v6 =	vld [tilespmem:s22+$0xE450]  }
0x12c: {  	v7 =	vld [tilespmem:s22+$0xE460]  }
0x12d: {  	v8 =	vld [tilespmem:s22+$0xE470]  }
0x12e: {  	v9 =	vld [tilespmem:s22+$0xE480]  }
0x12f: {  	v10 =	vld [tilespmem:s22+$0xE490]  }
0x130: {  	v11 =	vld [tilespmem:s22+$0xE4A0]  }
0x131: {  	v12 =	vld [tilespmem:s22+$0xE4B0]  }
0x132: {  	v13 =	vld [tilespmem:s22+$0xE4C0]  }
0x133: {  	v14 =	vld [tilespmem:s22+$0xE4D0]  }
0x134: {  	v0 =	vld [tilespmem:s22+$0xE4E0]  }
0x135: {  	[tilespmem:s22+$0x6400] =	vst.add.f32.msk $0xffff, v1  }
0x136: {  	[tilespmem:s22+$0x6410] =	vst.add.f32.msk $0xffff, v2  }
0x137: {  	[tilespmem:s22+$0x6420] =	vst.add.f32.msk $0xffff, v3  }
0x138: {  	[tilespmem:s22+$0x6430] =	vst.add.f32.msk $0xffff, v4  }
0x139: {  	[tilespmem:s22+$0x6440] =	vst.add.f32.msk $0xffff, v5  }
0x13a: {  	[tilespmem:s22+$0x6450] =	vst.add.f32.msk $0xffff, v6  }
0x13b: {  	[tilespmem:s22+$0x6460] =	vst.add.f32.msk $0xffff, v7  }
0x13c: {  	[tilespmem:s22+$0x6470] =	vst.add.f32.msk $0xffff, v8  }
0x13d: {  	[tilespmem:s22+$0x6480] =	vst.add.f32.msk $0xffff, v9  }
.Ltmp3:
0x13e: {  	[tilespmem:s22+$0x6490] =	vst.add.f32.msk $0xffff, v10;
	(pc) =	sbr.rel @p0 .LBB2_8-.Ltmp3, $4  }
0x13f: {  	[tilespmem:s22+$0x64A0] =	vst.add.f32.msk $0xffff, v11  }
0x140: {  	[tilespmem:s22+$0x64B0] =	vst.add.f32.msk $0xffff, v12  }
0x141: {  	[tilespmem:s22+$0x64C0] =	vst.add.f32.msk $0xffff, v13  }
0x142: {  	s24 =	sadd.s32 $0x400, s24;
	[tilespmem:s22+$0x64D0] =	vst.add.f32.msk $0xffff, v14  }
0x143: {  	[tilespmem:s22+$0x64E0] =	vst.add.f32.msk $0xffff, v0  }
0x144: {  	[hbm4b:s10+s1] =	stream.linear.scatter [tilespmem:s20], [sflag:$0x7], $0x2000, $0x38;
	[tilespmem:$0x10400] =	vst v63  }
0x145: {  	_ =	swait.ge [sflag:s17], $0x2000  }
0x146: {  	[sflag:s17] =	ssyncset.done $0x0  }
0x147: {  	[sflag:s17] =	ssyncadd.s32 $0xFFFFE000  }
0x148: {  	_ =	swait.ge [sflag:s17], $0x2000  }
0x149: {  	[sflag:s17] =	ssyncset.done $0x0  }
0x14a: {  	s19 =	sadd.s32 $0x1, s19;
	[sflag:s17] =	ssyncadd.s32 $0xFFFFE000  }
0x14b: {  	p0 =	sne.s32 s19, s11;
	_ =	swait.ge [sflag:s17], $0x2000  }
.Ltmp4:
0x14c: {  	[sflag:s17] =	ssyncset.done $0x0;
	(pc) =	sbr.rel @p0 .LBB2_1-.Ltmp4, $4  }
0x14d: {  	[sflag:s17] =	ssyncadd.s32 $0xFFFFE000  }
0x14e: {  	_ =	swait.ge [sflag:s17], $0x2000  }
0x14f: {  	[sflag:s17] =	ssyncset.done $0x0  }
0x150: {  	[sflag:s17] =	ssyncadd.s32 $0xFFFFE000  }
0x151: {  	_ =	sfence.sel $0x180000  }
0x152: {  	[bflag:$0x0] =	sbarrier.arrive $0xFFFF  }
0x153: {  	_ =	strace $0x90000047  }
0x154: {  	s0 =	stileid.u32;
	[bflag:$0x2] =	sbarrier.arrive $0xFFFF  }
0x155: {  	p0 =	sne.s32 s0, $0x0;
	s0 =	rddreg [dreg:$0x4]  }
0x156: {  	s0 =	sadd.s32 @!p0 $0x100000, s0  }
0x157: {  	[sflag:s0] =	ssyncadd.tile.s32 @!p0 $0x1;
	_ =	shalt  }
.Lfunc_end2:
_tile_overlayer_lowered:
.L_overlay_start_2:
0x158: {  	(tag) =	ssettag $0x2  }
0x159: {  	s0 =	rddreg [dreg:$0x0];
	s2 =	stileid.u32  }
0x15a: {  	s1 =	rddreg [dreg:$0x1];
	p0 =	sne.s32 s2, $0x0  }
0x15b: {  	s3 =	rddreg [dreg:$0x2];
	[bflag:$0x3] =	sbarrier.arrive $0xFFFF;
	s2 =	simm.s32 @!p0 $0x1C08  }
0x15c: {  	[timem:s3], [sflag:s2] =	dma.local @!p0 [hbm:s0], s1  }
0x15d: {  	s0 =	simm.s32 @!p0 $0x8  }
0x15e: {  	_ =	swait.ge @!p0 [sflag:s0], s1  }
0x15f: {  	s1 =	ssub.s32 @!p0 $0x0, s1;
	[sflag:s0] =	ssyncset.done @!p0 $0x0  }
0x160: {  	[sflag:s0] =	ssyncadd.s32 @!p0 s1  }
0x161: {  	[bflag:$0x3] =	sbarrier.arrive $0xFFFF  }
0x162: {  	_ =	shalt  }

</sc_bundles>
